<compile_context>
chip_gen: v7x
topology: tpu7x:2x2x1
jax: 0.10.2.dev20260603
libtpu: 0.0.44.dev20260713+nightly
codegen_flags: <defaults>
</compile_context>

<pallas_src>
import numpy as np

import jax
import jax.numpy as jnp
from jax import lax
from jax.experimental import pallas as pl
from jax.experimental.pallas import tpu as pltpu
from jax.experimental.pallas import tpu_sc as plsc

E = 4096
D_IN = 600
D_EDGE = 300
D_HID = 300

NC = 2
NS = 16
NW = NC * NS
EPW = E // NW
ACC_W = 128
ACC_H = 128

_EYE = np.eye(ACC_W, dtype=np.float32)
_ZEROS = np.zeros((ACC_H, ACC_W), np.float32)


def _sc_body(dst1, src1, dst2, src2,
             eye_hbm, zeros_hbm,
             out1, out2,
             idx_d, idx_s, oh_v, acc1, acc2):
    c = lax.axis_index("c")
    s = lax.axis_index("s")
    base = (s * NC + c) * EPW

    @pl.when(s == 0)
    def _zero():
        pltpu.sync_copy(zeros_hbm, acc1)
        pltpu.sync_copy(zeros_hbm, acc2)

    plsc.subcore_barrier()

    for dstr, srcr, acc, n_src in ((dst1, src1, acc1, 64),
                                   (dst2, src2, acc2, 64)):
        pltpu.sync_copy(dstr.at[pl.ds(base, EPW)], idx_d)
        pltpu.sync_copy(srcr.at[pl.ds(base, EPW)], idx_s)
        for k in range(EPW // 16):
            d = idx_d[pl.ds(k * 16, 16)]
            sv = idx_s[pl.ds(k * 16, 16)]
            ok = (d >= 0) & (d < 128) & (sv >= 0) & (sv < n_src)
            idx_d[pl.ds(k * 16, 16)] = jnp.where(ok, d, 127)
            idx_s[pl.ds(k * 16, 16)] = jnp.where(ok, sv, 0)
        pltpu.sync_copy(eye_hbm.at[idx_s], oh_v)
        pltpu.sync_copy(oh_v, acc.at[idx_d], add=True)

    plsc.subcore_barrier()

    @pl.when(s == 0)
    def _writeout():
        pltpu.sync_copy(acc1, out1.at[c])
        pltpu.sync_copy(acc2, out2.at[c])


def _sc_counts(dst1, src1, dst2, src2):
    mesh = plsc.VectorSubcoreMesh(core_axis_name="c", subcore_axis_name="s")
    f = pl.kernel(
        _sc_body,
        mesh=mesh,
        out_type=[jax.ShapeDtypeStruct((NC, ACC_H, ACC_W), jnp.float32)] * 2,
        scratch_types=[
            pltpu.VMEM((EPW,), jnp.int32),
            pltpu.VMEM((EPW,), jnp.int32),
            pltpu.VMEM((EPW, ACC_W), jnp.float32),
            pltpu.VMEM_SHARED((ACC_H, ACC_W), jnp.float32),
            pltpu.VMEM_SHARED((ACC_H, ACC_W), jnp.float32),
        ],
    )
    return f(dst1, src1, dst2, src2, jnp.asarray(_EYE), jnp.asarray(_ZEROS))


def _ea_proj(dst, ea, We):
    od = jnp.where(dst[:, None] == lax.broadcasted_iota(jnp.int32, (E, 64), 1),
                   1.0, 0.0)
    ea_sum = lax.dot_general(od, ea, (((0,), (0,)), ((), ())),
                             preferred_element_type=jnp.float32)
    return jnp.dot(ea_sum, We, preferred_element_type=jnp.float32)


def _count_mm(dst, src):
    od = jnp.where(dst[:, None] == lax.broadcasted_iota(jnp.int32, (E, 64), 1),
                   1.0, 0.0)
    os_ = jnp.where(src[:, None] == lax.broadcasted_iota(jnp.int32, (E, 128), 1),
                    1.0, 0.0)
    return lax.dot_general(od, os_, (((0,), (0,)), ((), ())),
                           preferred_element_type=jnp.float32)


def _tca_body(x1_r, x2_r, dst1_r, dst2_r, dst1c_r, dst2c_r,
              src1c_r, src2c_r,
              ea1_r, ea2_r, ea1c_r, ea2c_r,
              tsa_Wn, tsa_We, gsa_Wn, gsa_We, tca_We, gca_We,
              px1_r, px2_r, e1_r, e2_r, e1c_r, e2c_r, a1c_r, a2c_r):
    px1_r[...] = jnp.dot(x1_r[...], tsa_Wn[...],
                         preferred_element_type=jnp.float32)
    px2_r[...] = jnp.dot(x2_r[...], gsa_Wn[...],
                         preferred_element_type=jnp.float32)
    e1_r[...] = _ea_proj(dst1_r[...], ea1_r[...], tsa_We[...])
    e2_r[...] = _ea_proj(dst2_r[...], ea2_r[...], gsa_We[...])
    e1c_r[...] = _ea_proj(dst1c_r[...], ea1c_r[...], tca_We[...])
    e2c_r[...] = _ea_proj(dst2c_r[...], ea2c_r[...], gca_We[...])
    a1c_r[...] = _count_mm(dst1c_r[...], src1c_r[...])
    a2c_r[...] = _count_mm(dst2c_r[...], src2c_r[...])


def _tca_call(*args):
    return pl.pallas_call(
        _tca_body,
        out_shape=[jax.ShapeDtypeStruct((64, D_HID), jnp.float32)] * 6
        + [jax.ShapeDtypeStruct((64, 128), jnp.float32)] * 2,
    )(*args)


def _finish(a, px, e_proj, bn, be, Wo, bo, n_src):
    deg = jnp.sum(a, axis=1)
    eye = jnp.where(lax.broadcasted_iota(jnp.int32, (64, n_src), 0)
                    == lax.broadcasted_iota(jnp.int32, (64, n_src), 1),
                    1.0, 0.0)
    m = jnp.dot(a + deg[:, None] * eye, px, preferred_element_type=jnp.float32)
    agg = m + e_proj + deg[:, None] * (2.0 * bn + be)[None, :]
    return jnp.dot(agg, Wo, preferred_element_type=jnp.float32) + bo[None, :]


def _tcb_body(a1_r, a2_r, a1c_r, a2c_r,
              px1_r, px2_r, e1_r, e2_r, e1c_r, e2c_r,
              tsa_bn, tsa_be, tsa_Wo, tsa_bo,
              gsa_bn, gsa_be, gsa_Wo, gsa_bo,
              tca_Wn, tca_bn, tca_be, tca_Wo, tca_bo,
              gca_Wn, gca_bn, gca_be, gca_Wo, gca_bo,
              o1_r, o2_r):
    y1 = _finish(jnp.sum(a1_r[...], axis=0)[:64, :64], px1_r[...], e1_r[...],
                 tsa_bn[...], tsa_be[...], tsa_Wo[...], tsa_bo[...], 64)
    y2 = _finish(jnp.sum(a2_r[...], axis=0)[:64, :64], px2_r[...], e2_r[...],
                 gsa_bn[...], gsa_be[...], gsa_Wo[...], gsa_bo[...], 64)
    px1c = jnp.dot(jnp.concatenate([y1, y2], axis=0), tca_Wn[...],
                   preferred_element_type=jnp.float32)
    px2c = jnp.dot(jnp.concatenate([y2, y1], axis=0), gca_Wn[...],
                   preferred_element_type=jnp.float32)
    o1_r[...] = _finish(a1c_r[...], px1c, e1c_r[...],
                        tca_bn[...], tca_be[...], tca_Wo[...], tca_bo[...], 128)
    o2_r[...] = _finish(a2c_r[...], px2c, e2c_r[...],
                        gca_bn[...], gca_be[...], gca_Wo[...], gca_bo[...], 128)



def _tcb_call(*args):
    return pl.pallas_call(
        _tcb_body,
        out_shape=[jax.ShapeDtypeStruct((64, D_IN), jnp.float32)] * 2,
    )(*args)


def kernel(x_1, x_2, edge_index_1, edge_index_2, edge_attr_1, edge_attr_2,
           edge_index_1_cross, edge_attr_1_cross, edge_index_2_cross,
           edge_attr_2_cross,
           tsa_Wn, tsa_bn, tsa_We, tsa_be, tsa_Wo, tsa_bo,
           gsa_Wn, gsa_bn, gsa_We, gsa_be, gsa_Wo, gsa_bo,
           tca_Wn, tca_bn, tca_We, tca_be, tca_Wo, tca_bo,
           gca_Wn, gca_bn, gca_We, gca_be, gca_Wo, gca_bo):
    dst1 = edge_index_1[1].astype(jnp.int32)
    src1 = edge_index_1[0].astype(jnp.int32)
    dst2 = edge_index_2[1].astype(jnp.int32)
    src2 = edge_index_2[0].astype(jnp.int32)
    dst1c = edge_index_1_cross[1].astype(jnp.int32)
    src1c = edge_index_1_cross[0].astype(jnp.int32)
    dst2c = edge_index_2_cross[1].astype(jnp.int32)
    src2c = edge_index_2_cross[0].astype(jnp.int32)

    a1, a2 = _sc_counts(dst1, src1, dst2, src2)

    px1, px2, e1, e2, e1c, e2c, a1c, a2c = _tca_call(
        x_1, x_2, dst1, dst2, dst1c, dst2c, src1c, src2c,
        edge_attr_1, edge_attr_2, edge_attr_1_cross, edge_attr_2_cross,
        tsa_Wn, tsa_We, gsa_Wn, gsa_We, tca_We, gca_We)

    o1, o2 = _tcb_call(
        a1, a2, a1c, a2c, px1, px2, e1, e2, e1c, e2c,
        tsa_bn, tsa_be, tsa_Wo, tsa_bo,
        gsa_bn, gsa_be, gsa_Wo, gsa_bo,
        tca_Wn, tca_bn, tca_be, tca_Wo, tca_bo,
        gca_Wn, gca_bn, gca_be, gca_Wo, gca_bo)
    return (o1, o2)

# --- scband reference (transcript-rebuilt; emitter-appended) ---
"""Pipeline reference for scband-big-gnn-32693291057228 (READ-ONLY COPY).

The authoritative reference and input builder live on the scoring server;
editing this copy changes nothing except your own understanding.
"""

import jax, jax.numpy as jnp
import numpy as np

N1 = 64
N2 = 64
E1 = 4096
E2 = 4096
D_IN = 600
D_EDGE = 300
D_HID = 300


def _make_cross_graph(n1, n2):
    i = jnp.repeat(jnp.arange(n1, dtype=jnp.int32), n2)
    j = jnp.tile(jnp.arange(n2, dtype=jnp.int32), n1)
    edge_index = jnp.stack([i, n1 + j], axis=0)
    edge_attr = jnp.zeros((n1 * n2, D_EDGE), dtype=jnp.float32)
    return edge_index, edge_attr


def _init_gnn(key):
    k = jax.random.split(key, 3)
    return {
        'Wn': jax.random.normal(k[0], (D_IN, D_HID), jnp.float32) * 0.04,
        'bn': jnp.zeros((D_HID,), jnp.float32),
        'We': jax.random.normal(k[1], (D_EDGE, D_HID), jnp.float32) * 0.05,
        'be': jnp.zeros((D_HID,), jnp.float32),
        'Wo': jax.random.normal(k[2], (D_HID, D_IN), jnp.float32) * 0.05,
        'bo': jnp.zeros((D_IN,), jnp.float32),
    }


def setup_inputs(seed: int = 0) -> dict:
    key = jax.random.key(seed)
    ks = jax.random.split(key, 12)
    inp = {}
    inp['x_1'] = jax.random.normal(ks[0], (N1, D_IN), jnp.float32)
    inp['x_2'] = jax.random.normal(ks[1], (N2, D_IN), jnp.float32)
    inp['edge_index_1'] = jax.random.randint(ks[2], (2, E1), 0, N1)
    inp['edge_index_2'] = jax.random.randint(ks[3], (2, E2), 0, N2)
    inp['edge_attr_1'] = jax.random.normal(ks[4], (E1, D_EDGE), jnp.float32)
    inp['edge_attr_2'] = jax.random.normal(ks[5], (E2, D_EDGE), jnp.float32)
    ei1c, ea1c = _make_cross_graph(N1, N2)
    ei2c, ea2c = _make_cross_graph(N2, N1)
    inp['edge_index_1_cross'] = ei1c
    inp['edge_attr_1_cross'] = ea1c
    inp['edge_index_2_cross'] = ei2c
    inp['edge_attr_2_cross'] = ea2c
    for idx, name in enumerate(['tsa', 'gsa', 'tca', 'gca']):
        p = _init_gnn(ks[6 + idx])
        for pn, pv in p.items():
            inp[name + '_' + pn] = pv
    return inp


def _simple_gnn(x, edge_index, edge_attr, Wn, bn, We, be, Wo, bo):
    # lin_node / lin_edge projections
    n = x.shape[0]
    px = x @ Wn + bn
    pe = edge_attr @ We + be
    src = edge_index[0]
    dst = edge_index[1]
    # message: x_i (target) + x_j (source) + edge_attr; aggr='add' at dst
    msg = px[dst] + px[src] + pe
    agg = jax.ops.segment_sum(msg, dst, num_segments=n)
    # update: lin
    return agg @ Wo + bo


def reference(x_1, x_2, edge_index_1, edge_index_2, edge_attr_1, edge_attr_2,
              edge_index_1_cross, edge_attr_1_cross, edge_index_2_cross, edge_attr_2_cross,
              tsa_Wn, tsa_bn, tsa_We, tsa_be, tsa_Wo, tsa_bo,
              gsa_Wn, gsa_bn, gsa_We, gsa_be, gsa_Wo, gsa_bo,
              tca_Wn, tca_bn, tca_We, tca_be, tca_Wo, tca_bo,
              gca_Wn, gca_bn, gca_We, gca_be, gca_Wo, gca_bo):
    x1 = _simple_gnn(x_1, edge_index_1, edge_attr_1, tsa_Wn, tsa_bn, tsa_We, tsa_be, tsa_Wo, tsa_bo)
    x2 = _simple_gnn(x_2, edge_index_2, edge_attr_2, gsa_Wn, gsa_bn, gsa_We, gsa_be, gsa_Wo, gsa_bo)
    len1 = x1.shape[0]
    len2 = x2.shape[0]
    x1c_in = jnp.concatenate([x1, x2], axis=0)
    x2c_in = jnp.concatenate([x2, x1], axis=0)
    x1c = _simple_gnn(x1c_in, edge_index_1_cross, edge_attr_1_cross, tca_Wn, tca_bn, tca_We, tca_be, tca_Wo, tca_bo)
    x2c = _simple_gnn(x2c_in, edge_index_2_cross, edge_attr_2_cross, gca_Wn, gca_bn, gca_We, gca_be, gca_Wo, gca_bo)
    return (x1c[:len1], x2c[:len2])

if __name__ == "__main__":
    import jax
    _d = setup_inputs()
    print(jax.jit(kernel)(*tuple(_d.values())))

</pallas_src>

<mosaic_0001>
#map = affine_map<(d0, d1) -> (0)>
#map1 = affine_map<(d0, d1) -> (0, 0)>
#map2 = affine_map<(d0, d1) -> (0, 0, 0)>
module attributes {stable_mosaic.version = 14 : i64} {
  func.func @_sc_body(%arg0: i32, %arg1: i32, %arg2: memref<4096xi32, #tpu.memory_space<hbm>>, %arg3: memref<4096xi32, #tpu.memory_space<hbm>>, %arg4: memref<4096xi32, #tpu.memory_space<hbm>>, %arg5: memref<4096xi32, #tpu.memory_space<hbm>>, %arg6: memref<128x128xf32, #tpu.memory_space<hbm>>, %arg7: memref<128x128xf32, #tpu.memory_space<hbm>>, %arg8: memref<2x128x128xf32, #tpu.memory_space<hbm>>, %arg9: memref<2x128x128xf32, #tpu.memory_space<hbm>>, %arg10: memref<128xi32, #tpu.memory_space<vmem>>, %arg11: memref<128xi32, #tpu.memory_space<vmem>>, %arg12: memref<128x128xf32, #tpu.memory_space<vmem>>, %arg13: memref<128x128xf32, #tpu.memory_space<vmem_shared>>, %arg14: memref<128x128xf32, #tpu.memory_space<vmem_shared>>) attributes {dimension_semantics = [#tpu.dimension_semantics<core_parallel>, #tpu.dimension_semantics<subcore_parallel>], iteration_bounds = array<i64: 2, 16>, scalar_prefetch = 0 : i64, scratch_operands = 5 : i64, tpu.core_type = #tpu.core_type<sc_vector_subcore>, window_params = [{transform_indices = #map}, {transform_indices = #map}, {transform_indices = #map}, {transform_indices = #map}, {transform_indices = #map1}, {transform_indices = #map1}, {transform_indices = #map2}, {transform_indices = #map2}]} {
    %mul3A = arith.constant 2 : i32
    %mul3A_0 = arith.muli %arg1, %mul3A : i32
    %add3A = arith.addi %mul3A_0, %arg0 : i32
    %mul3A_1 = arith.constant 128 : i32
    %mul3A_2 = arith.muli %add3A, %mul3A_1 : i32
    %eq3A = arith.constant 0 : i32
    %eq3A_3 = arith.cmpi eq, %arg1, %eq3A : i32
    %convert_element_type3A = arith.extui %eq3A_3 : i1 to i32
    %cond3A = arith.constant 0 : i32
    %cond3A_4 = arith.cmpi ne, %convert_element_type3A, %cond3A : i32
    scf.if %cond3A_4 {
      "tpu.region"() ({
        %run_scoped3A = tpu.sem_alloc : memref<!tpu.dma_semaphore, #tpu.memory_space<semaphore_mem>>
        tpu.enqueue_dma source(%arg7 : memref<128x128xf32, #tpu.memory_space<hbm>>) target(%arg13 : memref<128x128xf32, #tpu.memory_space<vmem_shared>>) target_semaphore(%run_scoped3A : memref<!tpu.dma_semaphore, #tpu.memory_space<semaphore_mem>>)
        tpu.wait_dma2 semaphore(%run_scoped3A : memref<!tpu.dma_semaphore, #tpu.memory_space<semaphore_mem>>) src(%arg7 : memref<128x128xf32, #tpu.memory_space<hbm>>) dst(%arg13 : memref<128x128xf32, #tpu.memory_space<vmem_shared>>)
        tpu.yield
      }) : () -> ()
      "tpu.region"() ({
        %run_scoped3A = tpu.sem_alloc : memref<!tpu.dma_semaphore, #tpu.memory_space<semaphore_mem>>
        tpu.enqueue_dma source(%arg7 : memref<128x128xf32, #tpu.memory_space<hbm>>) target(%arg14 : memref<128x128xf32, #tpu.memory_space<vmem_shared>>) target_semaphore(%run_scoped3A : memref<!tpu.dma_semaphore, #tpu.memory_space<semaphore_mem>>)
        tpu.wait_dma2 semaphore(%run_scoped3A : memref<!tpu.dma_semaphore, #tpu.memory_space<semaphore_mem>>) src(%arg7 : memref<128x128xf32, #tpu.memory_space<hbm>>) dst(%arg14 : memref<128x128xf32, #tpu.memory_space<vmem_shared>>)
        tpu.yield
      }) : () -> ()
    } else {
    }
    %barrier3A = arith.constant 0 : index
    tpu.barrier barrier_id(%barrier3A)
    "tpu.region"() ({
      %run_scoped3A = tpu.sem_alloc : memref<!tpu.dma_semaphore, #tpu.memory_space<semaphore_mem>>
      %dma_start3A = tpu.memref_slice %arg2[%mul3A_2] : memref<4096xi32, #tpu.memory_space<hbm>> -> memref<128xi32, #tpu.memory_space<hbm>>
      %dma_start3A_563 = tpu.memref_slice %arg2[%mul3A_2] : memref<4096xi32, #tpu.memory_space<hbm>> -> memref<128xi32, #tpu.memory_space<hbm>>
      tpu.enqueue_dma source(%dma_start3A_563 : memref<128xi32, #tpu.memory_space<hbm>>) target(%arg10 : memref<128xi32, #tpu.memory_space<vmem>>) target_semaphore(%run_scoped3A : memref<!tpu.dma_semaphore, #tpu.memory_space<semaphore_mem>>)
      %dma_wait3A = tpu.memref_slice %arg2[%mul3A_2] : memref<4096xi32, #tpu.memory_space<hbm>> -> memref<128xi32, #tpu.memory_space<hbm>>
      %dma_wait3A_564 = tpu.memref_slice %arg2[%mul3A_2] : memref<4096xi32, #tpu.memory_space<hbm>> -> memref<128xi32, #tpu.memory_space<hbm>>
      tpu.wait_dma2 semaphore(%run_scoped3A : memref<!tpu.dma_semaphore, #tpu.memory_space<semaphore_mem>>) src(%dma_wait3A_564 : memref<128xi32, #tpu.memory_space<hbm>>) dst(%arg10 : memref<128xi32, #tpu.memory_space<vmem>>)
      tpu.yield
    }) : () -> ()
    "tpu.region"() ({
      %run_scoped3A = tpu.sem_alloc : memref<!tpu.dma_semaphore, #tpu.memory_space<semaphore_mem>>
      %dma_start3A = tpu.memref_slice %arg3[%mul3A_2] : memref<4096xi32, #tpu.memory_space<hbm>> -> memref<128xi32, #tpu.memory_space<hbm>>
      %dma_start3A_563 = tpu.memref_slice %arg3[%mul3A_2] : memref<4096xi32, #tpu.memory_space<hbm>> -> memref<128xi32, #tpu.memory_space<hbm>>
      tpu.enqueue_dma source(%dma_start3A_563 : memref<128xi32, #tpu.memory_space<hbm>>) target(%arg11 : memref<128xi32, #tpu.memory_space<vmem>>) target_semaphore(%run_scoped3A : memref<!tpu.dma_semaphore, #tpu.memory_space<semaphore_mem>>)
      %dma_wait3A = tpu.memref_slice %arg3[%mul3A_2] : memref<4096xi32, #tpu.memory_space<hbm>> -> memref<128xi32, #tpu.memory_space<hbm>>
      %dma_wait3A_564 = tpu.memref_slice %arg3[%mul3A_2] : memref<4096xi32, #tpu.memory_space<hbm>> -> memref<128xi32, #tpu.memory_space<hbm>>
      tpu.wait_dma2 semaphore(%run_scoped3A : memref<!tpu.dma_semaphore, #tpu.memory_space<semaphore_mem>>) src(%dma_wait3A_564 : memref<128xi32, #tpu.memory_space<hbm>>) dst(%arg11 : memref<128xi32, #tpu.memory_space<vmem>>)
      tpu.yield
    }) : () -> ()
    %get3A = arith.constant 0 : index
    %get3A_5 = tpu.vector_load %arg10[%get3A] {strides = array<i32>} : memref<128xi32, #tpu.memory_space<vmem>>, vector<16xi32>,
    %get3A_6 = vector.shape_cast %get3A_5 : vector<16xi32> to vector<16xi32>
    %get3A_7 = arith.constant 0 : index
    %get3A_8 = tpu.vector_load %arg11[%get3A_7] {strides = array<i32>} : memref<128xi32, #tpu.memory_space<vmem>>, vector<16xi32>,
    %get3A_9 = vector.shape_cast %get3A_8 : vector<16xi32> to vector<16xi32>
    %ge3A = arith.constant 0 : i32
    %ge3A_10 = vector.broadcast %ge3A : i32 to vector<16xi32>
    %ge3A_11 = arith.cmpi sge, %get3A_6, %ge3A_10 : vector<16xi32>
    %lt3A = arith.constant 128 : i32
    %lt3A_12 = vector.broadcast %lt3A : i32 to vector<16xi32>
    %lt3A_13 = arith.cmpi slt, %get3A_6, %lt3A_12 : vector<16xi32>
    %and3A = arith.andi %ge3A_11, %lt3A_13 : vector<16xi1>
    %ge3A_14 = arith.constant 0 : i32
    %ge3A_15 = vector.broadcast %ge3A_14 : i32 to vector<16xi32>
    %ge3A_16 = arith.cmpi sge, %get3A_9, %ge3A_15 : vector<16xi32>
    %and3A_17 = arith.andi %and3A, %ge3A_16 : vector<16xi1>
    %lt3A_18 = arith.constant 64 : i32
    %lt3A_19 = vector.broadcast %lt3A_18 : i32 to vector<16xi32>
    %lt3A_20 = arith.cmpi slt, %get3A_9, %lt3A_19 : vector<16xi32>
    %and3A_21 = arith.andi %and3A_17, %lt3A_20 : vector<16xi1>
    %jit3A = arith.constant 127 : i32
    %broadcast_in_dim3A = vector.broadcast %jit3A : i32 to vector<16xi32>
    %select_n3A = arith.select %and3A_21, %get3A_6, %broadcast_in_dim3A : vector<16xi1>, vector<16xi32>
    %swap3A = arith.constant 0 : index
    %swap3A_22 = tpu.vector_load %arg10[%swap3A] {strides = array<i32>} : memref<128xi32, #tpu.memory_space<vmem>>, vector<16xi32>,
    %swap3A_23 = vector.shape_cast %swap3A_22 : vector<16xi32> to vector<16xi32>
    %swap3A_24 = vector.shape_cast %select_n3A : vector<16xi32> to vector<16xi32>
    tpu.vector_store %arg10[%swap3A], %swap3A_24 {strides = array<i32>} : memref<128xi32, #tpu.memory_space<vmem>>, vector<16xi32>,
    %jit3A_25 = arith.constant 0 : i32
    %broadcast_in_dim3A_26 = vector.broadcast %jit3A_25 : i32 to vector<16xi32>
    %select_n3A_27 = arith.select %and3A_21, %get3A_9, %broadcast_in_dim3A_26 : vector<16xi1>, vector<16xi32>
    %swap3A_28 = arith.constant 0 : index
    %swap3A_29 = tpu.vector_load %arg11[%swap3A_28] {strides = array<i32>} : memref<128xi32, #tpu.memory_space<vmem>>, vector<16xi32>,
    %swap3A_30 = vector.shape_cast %swap3A_29 : vector<16xi32> to vector<16xi32>
    %swap3A_31 = vector.shape_cast %select_n3A_27 : vector<16xi32> to vector<16xi32>
    tpu.vector_store %arg11[%swap3A_28], %swap3A_31 {strides = array<i32>} : memref<128xi32, #tpu.memory_space<vmem>>, vector<16xi32>,
    %get3A_32 = arith.constant 16 : index
    %get3A_33 = tpu.vector_load %arg10[%get3A_32] {strides = array<i32>} : memref<128xi32, #tpu.memory_space<vmem>>, vector<16xi32>,
    %get3A_34 = vector.shape_cast %get3A_33 : vector<16xi32> to vector<16xi32>
    %get3A_35 = arith.constant 16 : index
    %get3A_36 = tpu.vector_load %arg11[%get3A_35] {strides = array<i32>} : memref<128xi32, #tpu.memory_space<vmem>>, vector<16xi32>,
    %get3A_37 = vector.shape_cast %get3A_36 : vector<16xi32> to vector<16xi32>
    %ge3A_38 = arith.constant 0 : i32
    %ge3A_39 = vector.broadcast %ge3A_38 : i32 to vector<16xi32>
    %ge3A_40 = arith.cmpi sge, %get3A_34, %ge3A_39 : vector<16xi32>
    %lt3A_41 = arith.constant 128 : i32
    %lt3A_42 = vector.broadcast %lt3A_41 : i32 to vector<16xi32>
    %lt3A_43 = arith.cmpi slt, %get3A_34, %lt3A_42 : vector<16xi32>
    %and3A_44 = arith.andi %ge3A_40, %lt3A_43 : vector<16xi1>
    %ge3A_45 = arith.constant 0 : i32
    %ge3A_46 = vector.broadcast %ge3A_45 : i32 to vector<16xi32>
    %ge3A_47 = arith.cmpi sge, %get3A_37, %ge3A_46 : vector<16xi32>
    %and3A_48 = arith.andi %and3A_44, %ge3A_47 : vector<16xi1>
    %lt3A_49 = arith.constant 64 : i32
    %lt3A_50 = vector.broadcast %lt3A_49 : i32 to vector<16xi32>
    %lt3A_51 = arith.cmpi slt, %get3A_37, %lt3A_50 : vector<16xi32>
    %and3A_52 = arith.andi %and3A_48, %lt3A_51 : vector<16xi1>
    %jit3A_53 = arith.constant 127 : i32
    %broadcast_in_dim3A_54 = vector.broadcast %jit3A_53 : i32 to vector<16xi32>
    %select_n3A_55 = arith.select %and3A_52, %get3A_34, %broadcast_in_dim3A_54 : vector<16xi1>, vector<16xi32>
    %swap3A_56 = arith.constant 16 : index
    %swap3A_57 = tpu.vector_load %arg10[%swap3A_56] {strides = array<i32>} : memref<128xi32, #tpu.memory_space<vmem>>, vector<16xi32>,
    %swap3A_58 = vector.shape_cast %swap3A_57 : vector<16xi32> to vector<16xi32>
    %swap3A_59 = vector.shape_cast %select_n3A_55 : vector<16xi32> to vector<16xi32>
    tpu.vector_store %arg10[%swap3A_56], %swap3A_59 {strides = array<i32>} : memref<128xi32, #tpu.memory_space<vmem>>, vector<16xi32>,
    %jit3A_60 = arith.constant 0 : i32
    %broadcast_in_dim3A_61 = vector.broadcast %jit3A_60 : i32 to vector<16xi32>
    %select_n3A_62 = arith.select %and3A_52, %get3A_37, %broadcast_in_dim3A_61 : vector<16xi1>, vector<16xi32>
    %swap3A_63 = arith.constant 16 : index
    %swap3A_64 = tpu.vector_load %arg11[%swap3A_63] {strides = array<i32>} : memref<128xi32, #tpu.memory_space<vmem>>, vector<16xi32>,
    %swap3A_65 = vector.shape_cast %swap3A_64 : vector<16xi32> to vector<16xi32>
    %swap3A_66 = vector.shape_cast %select_n3A_62 : vector<16xi32> to vector<16xi32>
    tpu.vector_store %arg11[%swap3A_63], %swap3A_66 {strides = array<i32>} : memref<128xi32, #tpu.memory_space<vmem>>, vector<16xi32>,
    %get3A_67 = arith.constant 32 : index
    %get3A_68 = tpu.vector_load %arg10[%get3A_67] {strides = array<i32>} : memref<128xi32, #tpu.memory_space<vmem>>, vector<16xi32>,
    %get3A_69 = vector.shape_cast %get3A_68 : vector<16xi32> to vector<16xi32>
    %get3A_70 = arith.constant 32 : index
    %get3A_71 = tpu.vector_load %arg11[%get3A_70] {strides = array<i32>} : memref<128xi32, #tpu.memory_space<vmem>>, vector<16xi32>,
    %get3A_72 = vector.shape_cast %get3A_71 : vector<16xi32> to vector<16xi32>
    %ge3A_73 = arith.constant 0 : i32
    %ge3A_74 = vector.broadcast %ge3A_73 : i32 to vector<16xi32>
    %ge3A_75 = arith.cmpi sge, %get3A_69, %ge3A_74 : vector<16xi32>
    %lt3A_76 = arith.constant 128 : i32
    %lt3A_77 = vector.broadcast %lt3A_76 : i32 to vector<16xi32>
    %lt3A_78 = arith.cmpi slt, %get3A_69, %lt3A_77 : vector<16xi32>
    %and3A_79 = arith.andi %ge3A_75, %lt3A_78 : vector<16xi1>
    %ge3A_80 = arith.constant 0 : i32
    %ge3A_81 = vector.broadcast %ge3A_80 : i32 to vector<16xi32>
    %ge3A_82 = arith.cmpi sge, %get3A_72, %ge3A_81 : vector<16xi32>
    %and3A_83 = arith.andi %and3A_79, %ge3A_82 : vector<16xi1>
    %lt3A_84 = arith.constant 64 : i32
    %lt3A_85 = vector.broadcast %lt3A_84 : i32 to vector<16xi32>
    %lt3A_86 = arith.cmpi slt, %get3A_72, %lt3A_85 : vector<16xi32>
    %and3A_87 = arith.andi %and3A_83, %lt3A_86 : vector<16xi1>
    %jit3A_88 = arith.constant 127 : i32
    %broadcast_in_dim3A_89 = vector.broadcast %jit3A_88 : i32 to vector<16xi32>
    %select_n3A_90 = arith.select %and3A_87, %get3A_69, %broadcast_in_dim3A_89 : vector<16xi1>, vector<16xi32>
    %swap3A_91 = arith.constant 32 : index
    %swap3A_92 = tpu.vector_load %arg10[%swap3A_91] {strides = array<i32>} : memref<128xi32, #tpu.memory_space<vmem>>, vector<16xi32>,
    %swap3A_93 = vector.shape_cast %swap3A_92 : vector<16xi32> to vector<16xi32>
    %swap3A_94 = vector.shape_cast %select_n3A_90 : vector<16xi32> to vector<16xi32>
    tpu.vector_store %arg10[%swap3A_91], %swap3A_94 {strides = array<i32>} : memref<128xi32, #tpu.memory_space<vmem>>, vector<16xi32>,
    %jit3A_95 = arith.constant 0 : i32
    %broadcast_in_dim3A_96 = vector.broadcast %jit3A_95 : i32 to vector<16xi32>
    %select_n3A_97 = arith.select %and3A_87, %get3A_72, %broadcast_in_dim3A_96 : vector<16xi1>, vector<16xi32>
    %swap3A_98 = arith.constant 32 : index
    %swap3A_99 = tpu.vector_load %arg11[%swap3A_98] {strides = array<i32>} : memref<128xi32, #tpu.memory_space<vmem>>, vector<16xi32>,
    %swap3A_100 = vector.shape_cast %swap3A_99 : vector<16xi32> to vector<16xi32>
    %swap3A_101 = vector.shape_cast %select_n3A_97 : vector<16xi32> to vector<16xi32>
    tpu.vector_store %arg11[%swap3A_98], %swap3A_101 {strides = array<i32>} : memref<128xi32, #tpu.memory_space<vmem>>, vector<16xi32>,
    %get3A_102 = arith.constant 48 : index
    %get3A_103 = tpu.vector_load %arg10[%get3A_102] {strides = array<i32>} : memref<128xi32, #tpu.memory_space<vmem>>, vector<16xi32>,
    %get3A_104 = vector.shape_cast %get3A_103 : vector<16xi32> to vector<16xi32>
    %get3A_105 = arith.constant 48 : index
    %get3A_106 = tpu.vector_load %arg11[%get3A_105] {strides = array<i32>} : memref<128xi32, #tpu.memory_space<vmem>>, vector<16xi32>,
    %get3A_107 = vector.shape_cast %get3A_106 : vector<16xi32> to vector<16xi32>
    %ge3A_108 = arith.constant 0 : i32
    %ge3A_109 = vector.broadcast %ge3A_108 : i32 to vector<16xi32>
    %ge3A_110 = arith.cmpi sge, %get3A_104, %ge3A_109 : vector<16xi32>
    %lt3A_111 = arith.constant 128 : i32
    %lt3A_112 = vector.broadcast %lt3A_111 : i32 to vector<16xi32>
    %lt3A_113 = arith.cmpi slt, %get3A_104, %lt3A_112 : vector<16xi32>
    %and3A_114 = arith.andi %ge3A_110, %lt3A_113 : vector<16xi1>
    %ge3A_115 = arith.constant 0 : i32
    %ge3A_116 = vector.broadcast %ge3A_115 : i32 to vector<16xi32>
    %ge3A_117 = arith.cmpi sge, %get3A_107, %ge3A_116 : vector<16xi32>
    %and3A_118 = arith.andi %and3A_114, %ge3A_117 : vector<16xi1>
    %lt3A_119 = arith.constant 64 : i32
    %lt3A_120 = vector.broadcast %lt3A_119 : i32 to vector<16xi32>
    %lt3A_121 = arith.cmpi slt, %get3A_107, %lt3A_120 : vector<16xi32>
    %and3A_122 = arith.andi %and3A_118, %lt3A_121 : vector<16xi1>
    %jit3A_123 = arith.constant 127 : i32
    %broadcast_in_dim3A_124 = vector.broadcast %jit3A_123 : i32 to vector<16xi32>
    %select_n3A_125 = arith.select %and3A_122, %get3A_104, %broadcast_in_dim3A_124 : vector<16xi1>, vector<16xi32>
    %swap3A_126 = arith.constant 48 : index
    %swap3A_127 = tpu.vector_load %arg10[%swap3A_126] {strides = array<i32>} : memref<128xi32, #tpu.memory_space<vmem>>, vector<16xi32>,
    %swap3A_128 = vector.shape_cast %swap3A_127 : vector<16xi32> to vector<16xi32>
    %swap3A_129 = vector.shape_cast %select_n3A_125 : vector<16xi32> to vector<16xi32>
    tpu.vector_store %arg10[%swap3A_126], %swap3A_129 {strides = array<i32>} : memref<128xi32, #tpu.memory_space<vmem>>, vector<16xi32>,
    %jit3A_130 = arith.constant 0 : i32
    %broadcast_in_dim3A_131 = vector.broadcast %jit3A_130 : i32 to vector<16xi32>
    %select_n3A_132 = arith.select %and3A_122, %get3A_107, %broadcast_in_dim3A_131 : vector<16xi1>, vector<16xi32>
    %swap3A_133 = arith.constant 48 : index
    %swap3A_134 = tpu.vector_load %arg11[%swap3A_133] {strides = array<i32>} : memref<128xi32, #tpu.memory_space<vmem>>, vector<16xi32>,
    %swap3A_135 = vector.shape_cast %swap3A_134 : vector<16xi32> to vector<16xi32>
    %swap3A_136 = vector.shape_cast %select_n3A_132 : vector<16xi32> to vector<16xi32>
    tpu.vector_store %arg11[%swap3A_133], %swap3A_136 {strides = array<i32>} : memref<128xi32, #tpu.memory_space<vmem>>, vector<16xi32>,
    %get3A_137 = arith.constant 64 : index
    %get3A_138 = tpu.vector_load %arg10[%get3A_137] {strides = array<i32>} : memref<128xi32, #tpu.memory_space<vmem>>, vector<16xi32>,
    %get3A_139 = vector.shape_cast %get3A_138 : vector<16xi32> to vector<16xi32>
    %get3A_140 = arith.constant 64 : index
    %get3A_141 = tpu.vector_load %arg11[%get3A_140] {strides = array<i32>} : memref<128xi32, #tpu.memory_space<vmem>>, vector<16xi32>,
    %get3A_142 = vector.shape_cast %get3A_141 : vector<16xi32> to vector<16xi32>
    %ge3A_143 = arith.constant 0 : i32
    %ge3A_144 = vector.broadcast %ge3A_143 : i32 to vector<16xi32>
    %ge3A_145 = arith.cmpi sge, %get3A_139, %ge3A_144 : vector<16xi32>
    %lt3A_146 = arith.constant 128 : i32
    %lt3A_147 = vector.broadcast %lt3A_146 : i32 to vector<16xi32>
    %lt3A_148 = arith.cmpi slt, %get3A_139, %lt3A_147 : vector<16xi32>
    %and3A_149 = arith.andi %ge3A_145, %lt3A_148 : vector<16xi1>
    %ge3A_150 = arith.constant 0 : i32
    %ge3A_151 = vector.broadcast %ge3A_150 : i32 to vector<16xi32>
    %ge3A_152 = arith.cmpi sge, %get3A_142, %ge3A_151 : vector<16xi32>
    %and3A_153 = arith.andi %and3A_149, %ge3A_152 : vector<16xi1>
    %lt3A_154 = arith.constant 64 : i32
    %lt3A_155 = vector.broadcast %lt3A_154 : i32 to vector<16xi32>
    %lt3A_156 = arith.cmpi slt, %get3A_142, %lt3A_155 : vector<16xi32>
    %and3A_157 = arith.andi %and3A_153, %lt3A_156 : vector<16xi1>
    %jit3A_158 = arith.constant 127 : i32
    %broadcast_in_dim3A_159 = vector.broadcast %jit3A_158 : i32 to vector<16xi32>
    %select_n3A_160 = arith.select %and3A_157, %get3A_139, %broadcast_in_dim3A_159 : vector<16xi1>, vector<16xi32>
    %swap3A_161 = arith.constant 64 : index
    %swap3A_162 = tpu.vector_load %arg10[%swap3A_161] {strides = array<i32>} : memref<128xi32, #tpu.memory_space<vmem>>, vector<16xi32>,
    %swap3A_163 = vector.shape_cast %swap3A_162 : vector<16xi32> to vector<16xi32>
    %swap3A_164 = vector.shape_cast %select_n3A_160 : vector<16xi32> to vector<16xi32>
    tpu.vector_store %arg10[%swap3A_161], %swap3A_164 {strides = array<i32>} : memref<128xi32, #tpu.memory_space<vmem>>, vector<16xi32>,
    %jit3A_165 = arith.constant 0 : i32
    %broadcast_in_dim3A_166 = vector.broadcast %jit3A_165 : i32 to vector<16xi32>
    %select_n3A_167 = arith.select %and3A_157, %get3A_142, %broadcast_in_dim3A_166 : vector<16xi1>, vector<16xi32>
    %swap3A_168 = arith.constant 64 : index
    %swap3A_169 = tpu.vector_load %arg11[%swap3A_168] {strides = array<i32>} : memref<128xi32, #tpu.memory_space<vmem>>, vector<16xi32>,
    %swap3A_170 = vector.shape_cast %swap3A_169 : vector<16xi32> to vector<16xi32>
    %swap3A_171 = vector.shape_cast %select_n3A_167 : vector<16xi32> to vector<16xi32>
    tpu.vector_store %arg11[%swap3A_168], %swap3A_171 {strides = array<i32>} : memref<128xi32, #tpu.memory_space<vmem>>, vector<16xi32>,
    %get3A_172 = arith.constant 80 : index
    %get3A_173 = tpu.vector_load %arg10[%get3A_172] {strides = array<i32>} : memref<128xi32, #tpu.memory_space<vmem>>, vector<16xi32>,
    %get3A_174 = vector.shape_cast %get3A_173 : vector<16xi32> to vector<16xi32>
    %get3A_175 = arith.constant 80 : index
    %get3A_176 = tpu.vector_load %arg11[%get3A_175] {strides = array<i32>} : memref<128xi32, #tpu.memory_space<vmem>>, vector<16xi32>,
    %get3A_177 = vector.shape_cast %get3A_176 : vector<16xi32> to vector<16xi32>
    %ge3A_178 = arith.constant 0 : i32
    %ge3A_179 = vector.broadcast %ge3A_178 : i32 to vector<16xi32>
    %ge3A_180 = arith.cmpi sge, %get3A_174, %ge3A_179 : vector<16xi32>
    %lt3A_181 = arith.constant 128 : i32
    %lt3A_182 = vector.broadcast %lt3A_181 : i32 to vector<16xi32>
    %lt3A_183 = arith.cmpi slt, %get3A_174, %lt3A_182 : vector<16xi32>
    %and3A_184 = arith.andi %ge3A_180, %lt3A_183 : vector<16xi1>
    %ge3A_185 = arith.constant 0 : i32
    %ge3A_186 = vector.broadcast %ge3A_185 : i32 to vector<16xi32>
    %ge3A_187 = arith.cmpi sge, %get3A_177, %ge3A_186 : vector<16xi32>
    %and3A_188 = arith.andi %and3A_184, %ge3A_187 : vector<16xi1>
    %lt3A_189 = arith.constant 64 : i32
    %lt3A_190 = vector.broadcast %lt3A_189 : i32 to vector<16xi32>
    %lt3A_191 = arith.cmpi slt, %get3A_177, %lt3A_190 : vector<16xi32>
    %and3A_192 = arith.andi %and3A_188, %lt3A_191 : vector<16xi1>
    %jit3A_193 = arith.constant 127 : i32
    %broadcast_in_dim3A_194 = vector.broadcast %jit3A_193 : i32 to vector<16xi32>
    %select_n3A_195 = arith.select %and3A_192, %get3A_174, %broadcast_in_dim3A_194 : vector<16xi1>, vector<16xi32>
    %swap3A_196 = arith.constant 80 : index
    %swap3A_197 = tpu.vector_load %arg10[%swap3A_196] {strides = array<i32>} : memref<128xi32, #tpu.memory_space<vmem>>, vector<16xi32>,
    %swap3A_198 = vector.shape_cast %swap3A_197 : vector<16xi32> to vector<16xi32>
    %swap3A_199 = vector.shape_cast %select_n3A_195 : vector<16xi32> to vector<16xi32>
    tpu.vector_store %arg10[%swap3A_196], %swap3A_199 {strides = array<i32>} : memref<128xi32, #tpu.memory_space<vmem>>, vector<16xi32>,
    %jit3A_200 = arith.constant 0 : i32
    %broadcast_in_dim3A_201 = vector.broadcast %jit3A_200 : i32 to vector<16xi32>
    %select_n3A_202 = arith.select %and3A_192, %get3A_177, %broadcast_in_dim3A_201 : vector<16xi1>, vector<16xi32>
    %swap3A_203 = arith.constant 80 : index
    %swap3A_204 = tpu.vector_load %arg11[%swap3A_203] {strides = array<i32>} : memref<128xi32, #tpu.memory_space<vmem>>, vector<16xi32>,
    %swap3A_205 = vector.shape_cast %swap3A_204 : vector<16xi32> to vector<16xi32>
    %swap3A_206 = vector.shape_cast %select_n3A_202 : vector<16xi32> to vector<16xi32>
    tpu.vector_store %arg11[%swap3A_203], %swap3A_206 {strides = array<i32>} : memref<128xi32, #tpu.memory_space<vmem>>, vector<16xi32>,
    %get3A_207 = arith.constant 96 : index
    %get3A_208 = tpu.vector_load %arg10[%get3A_207] {strides = array<i32>} : memref<128xi32, #tpu.memory_space<vmem>>, vector<16xi32>,
    %get3A_209 = vector.shape_cast %get3A_208 : vector<16xi32> to vector<16xi32>
    %get3A_210 = arith.constant 96 : index
    %get3A_211 = tpu.vector_load %arg11[%get3A_210] {strides = array<i32>} : memref<128xi32, #tpu.memory_space<vmem>>, vector<16xi32>,
    %get3A_212 = vector.shape_cast %get3A_211 : vector<16xi32> to vector<16xi32>
    %ge3A_213 = arith.constant 0 : i32
    %ge3A_214 = vector.broadcast %ge3A_213 : i32 to vector<16xi32>
    %ge3A_215 = arith.cmpi sge, %get3A_209, %ge3A_214 : vector<16xi32>
    %lt3A_216 = arith.constant 128 : i32
    %lt3A_217 = vector.broadcast %lt3A_216 : i32 to vector<16xi32>
    %lt3A_218 = arith.cmpi slt, %get3A_209, %lt3A_217 : vector<16xi32>
    %and3A_219 = arith.andi %ge3A_215, %lt3A_218 : vector<16xi1>
    %ge3A_220 = arith.constant 0 : i32
    %ge3A_221 = vector.broadcast %ge3A_220 : i32 to vector<16xi32>
    %ge3A_222 = arith.cmpi sge, %get3A_212, %ge3A_221 : vector<16xi32>
    %and3A_223 = arith.andi %and3A_219, %ge3A_222 : vector<16xi1>
    %lt3A_224 = arith.constant 64 : i32
    %lt3A_225 = vector.broadcast %lt3A_224 : i32 to vector<16xi32>
    %lt3A_226 = arith.cmpi slt, %get3A_212, %lt3A_225 : vector<16xi32>
    %and3A_227 = arith.andi %and3A_223, %lt3A_226 : vector<16xi1>
    %jit3A_228 = arith.constant 127 : i32
    %broadcast_in_dim3A_229 = vector.broadcast %jit3A_228 : i32 to vector<16xi32>
    %select_n3A_230 = arith.select %and3A_227, %get3A_209, %broadcast_in_dim3A_229 : vector<16xi1>, vector<16xi32>
    %swap3A_231 = arith.constant 96 : index
    %swap3A_232 = tpu.vector_load %arg10[%swap3A_231] {strides = array<i32>} : memref<128xi32, #tpu.memory_space<vmem>>, vector<16xi32>,
    %swap3A_233 = vector.shape_cast %swap3A_232 : vector<16xi32> to vector<16xi32>
    %swap3A_234 = vector.shape_cast %select_n3A_230 : vector<16xi32> to vector<16xi32>
    tpu.vector_store %arg10[%swap3A_231], %swap3A_234 {strides = array<i32>} : memref<128xi32, #tpu.memory_space<vmem>>, vector<16xi32>,
    %jit3A_235 = arith.constant 0 : i32
    %broadcast_in_dim3A_236 = vector.broadcast %jit3A_235 : i32 to vector<16xi32>
    %select_n3A_237 = arith.select %and3A_227, %get3A_212, %broadcast_in_dim3A_236 : vector<16xi1>, vector<16xi32>
    %swap3A_238 = arith.constant 96 : index
    %swap3A_239 = tpu.vector_load %arg11[%swap3A_238] {strides = array<i32>} : memref<128xi32, #tpu.memory_space<vmem>>, vector<16xi32>,
    %swap3A_240 = vector.shape_cast %swap3A_239 : vector<16xi32> to vector<16xi32>
    %swap3A_241 = vector.shape_cast %select_n3A_237 : vector<16xi32> to vector<16xi32>
    tpu.vector_store %arg11[%swap3A_238], %swap3A_241 {strides = array<i32>} : memref<128xi32, #tpu.memory_space<vmem>>, vector<16xi32>,
    %get3A_242 = arith.constant 112 : index
    %get3A_243 = tpu.vector_load %arg10[%get3A_242] {strides = array<i32>} : memref<128xi32, #tpu.memory_space<vmem>>, vector<16xi32>,
    %get3A_244 = vector.shape_cast %get3A_243 : vector<16xi32> to vector<16xi32>
    %get3A_245 = arith.constant 112 : index
    %get3A_246 = tpu.vector_load %arg11[%get3A_245] {strides = array<i32>} : memref<128xi32, #tpu.memory_space<vmem>>, vector<16xi32>,
    %get3A_247 = vector.shape_cast %get3A_246 : vector<16xi32> to vector<16xi32>
    %ge3A_248 = arith.constant 0 : i32
    %ge3A_249 = vector.broadcast %ge3A_248 : i32 to vector<16xi32>
    %ge3A_250 = arith.cmpi sge, %get3A_244, %ge3A_249 : vector<16xi32>
    %lt3A_251 = arith.constant 128 : i32
    %lt3A_252 = vector.broadcast %lt3A_251 : i32 to vector<16xi32>
    %lt3A_253 = arith.cmpi slt, %get3A_244, %lt3A_252 : vector<16xi32>
    %and3A_254 = arith.andi %ge3A_250, %lt3A_253 : vector<16xi1>
    %ge3A_255 = arith.constant 0 : i32
    %ge3A_256 = vector.broadcast %ge3A_255 : i32 to vector<16xi32>
    %ge3A_257 = arith.cmpi sge, %get3A_247, %ge3A_256 : vector<16xi32>
    %and3A_258 = arith.andi %and3A_254, %ge3A_257 : vector<16xi1>
    %lt3A_259 = arith.constant 64 : i32
    %lt3A_260 = vector.broadcast %lt3A_259 : i32 to vector<16xi32>
    %lt3A_261 = arith.cmpi slt, %get3A_247, %lt3A_260 : vector<16xi32>
    %and3A_262 = arith.andi %and3A_258, %lt3A_261 : vector<16xi1>
    %jit3A_263 = arith.constant 127 : i32
    %broadcast_in_dim3A_264 = vector.broadcast %jit3A_263 : i32 to vector<16xi32>
    %select_n3A_265 = arith.select %and3A_262, %get3A_244, %broadcast_in_dim3A_264 : vector<16xi1>, vector<16xi32>
    %swap3A_266 = arith.constant 112 : index
    %swap3A_267 = tpu.vector_load %arg10[%swap3A_266] {strides = array<i32>} : memref<128xi32, #tpu.memory_space<vmem>>, vector<16xi32>,
    %swap3A_268 = vector.shape_cast %swap3A_267 : vector<16xi32> to vector<16xi32>
    %swap3A_269 = vector.shape_cast %select_n3A_265 : vector<16xi32> to vector<16xi32>
    tpu.vector_store %arg10[%swap3A_266], %swap3A_269 {strides = array<i32>} : memref<128xi32, #tpu.memory_space<vmem>>, vector<16xi32>,
    %jit3A_270 = arith.constant 0 : i32
    %broadcast_in_dim3A_271 = vector.broadcast %jit3A_270 : i32 to vector<16xi32>
    %select_n3A_272 = arith.select %and3A_262, %get3A_247, %broadcast_in_dim3A_271 : vector<16xi1>, vector<16xi32>
    %swap3A_273 = arith.constant 112 : index
    %swap3A_274 = tpu.vector_load %arg11[%swap3A_273] {strides = array<i32>} : memref<128xi32, #tpu.memory_space<vmem>>, vector<16xi32>,
    %swap3A_275 = vector.shape_cast %swap3A_274 : vector<16xi32> to vector<16xi32>
    %swap3A_276 = vector.shape_cast %select_n3A_272 : vector<16xi32> to vector<16xi32>
    tpu.vector_store %arg11[%swap3A_273], %swap3A_276 {strides = array<i32>} : memref<128xi32, #tpu.memory_space<vmem>>, vector<16xi32>,
    "tpu.region"() ({
      %run_scoped3A = tpu.sem_alloc : memref<!tpu.dma_semaphore, #tpu.memory_space<semaphore_mem>>
      %dma_start3A = arith.constant 0 : i32
      %dma_start3A_563 = arith.constant 0 : i32
      %dma_start3A_564 = tpu.memref_slice %arg6[%dma_start3A, %dma_start3A_563] : memref<128x128xf32, #tpu.memory_space<hbm>> -> memref<128x128xf32, #tpu.memory_space<hbm>>
      tpu.enqueue_indirect_dma source(%dma_start3A_564 : memref<128x128xf32, #tpu.memory_space<hbm>>) target(%arg12 : memref<128x128xf32, #tpu.memory_space<vmem>>) offsets(%arg11 : memref<128xi32, #tpu.memory_space<vmem>>) semaphore(%run_scoped3A : memref<!tpu.dma_semaphore, #tpu.memory_space<semaphore_mem>>)
      %dma_wait3A = arith.constant 0 : i32
      %dma_wait3A_565 = arith.constant 0 : i32
      %dma_wait3A_566 = tpu.memref_slice %arg6[%dma_wait3A, %dma_wait3A_565] : memref<128x128xf32, #tpu.memory_space<hbm>> -> memref<128x128xf32, #tpu.memory_space<hbm>>
      tpu.wait_indirect_dma semaphore(%run_scoped3A : memref<!tpu.dma_semaphore, #tpu.memory_space<semaphore_mem>>) src(%dma_wait3A_566 : memref<128x128xf32, #tpu.memory_space<hbm>>) dst(%arg12 : memref<128x128xf32, #tpu.memory_space<vmem>>)
      tpu.yield
    }) : () -> ()
    "tpu.region"() ({
      %run_scoped3A = tpu.sem_alloc : memref<!tpu.dma_semaphore, #tpu.memory_space<semaphore_mem>>
      %dma_start3A = arith.constant 0 : i32
      %dma_start3A_563 = arith.constant 0 : i32
      %dma_start3A_564 = tpu.memref_slice %arg13[%dma_start3A, %dma_start3A_563] : memref<128x128xf32, #tpu.memory_space<vmem_shared>> -> memref<128x128xf32, #tpu.memory_space<vmem_shared>>
      tpu.enqueue_indirect_dma source(%arg12 : memref<128x128xf32, #tpu.memory_space<vmem>>) target(%dma_start3A_564 : memref<128x128xf32, #tpu.memory_space<vmem_shared>>) offsets(%arg10 : memref<128xi32, #tpu.memory_space<vmem>>) semaphore(%run_scoped3A : memref<!tpu.dma_semaphore, #tpu.memory_space<semaphore_mem>>) {add = true}
      %dma_wait3A = arith.constant 0 : i32
      %dma_wait3A_565 = arith.constant 0 : i32
      %dma_wait3A_566 = tpu.memref_slice %arg13[%dma_wait3A, %dma_wait3A_565] : memref<128x128xf32, #tpu.memory_space<vmem_shared>> -> memref<128x128xf32, #tpu.memory_space<vmem_shared>>
      tpu.wait_indirect_dma semaphore(%run_scoped3A : memref<!tpu.dma_semaphore, #tpu.memory_space<semaphore_mem>>) src(%arg12 : memref<128x128xf32, #tpu.memory_space<vmem>>) dst(%dma_wait3A_566 : memref<128x128xf32, #tpu.memory_space<vmem_shared>>)
      tpu.yield
    }) : () -> ()
    "tpu.region"() ({
      %run_scoped3A = tpu.sem_alloc : memref<!tpu.dma_semaphore, #tpu.memory_space<semaphore_mem>>
      %dma_start3A = tpu.memref_slice %arg4[%mul3A_2] : memref<4096xi32, #tpu.memory_space<hbm>> -> memref<128xi32, #tpu.memory_space<hbm>>
      %dma_start3A_563 = tpu.memref_slice %arg4[%mul3A_2] : memref<4096xi32, #tpu.memory_space<hbm>> -> memref<128xi32, #tpu.memory_space<hbm>>
      tpu.enqueue_dma source(%dma_start3A_563 : memref<128xi32, #tpu.memory_space<hbm>>) target(%arg10 : memref<128xi32, #tpu.memory_space<vmem>>) target_semaphore(%run_scoped3A : memref<!tpu.dma_semaphore, #tpu.memory_space<semaphore_mem>>)
      %dma_wait3A = tpu.memref_slice %arg4[%mul3A_2] : memref<4096xi32, #tpu.memory_space<hbm>> -> memref<128xi32, #tpu.memory_space<hbm>>
      %dma_wait3A_564 = tpu.memref_slice %arg4[%mul3A_2] : memref<4096xi32, #tpu.memory_space<hbm>> -> memref<128xi32, #tpu.memory_space<hbm>>
      tpu.wait_dma2 semaphore(%run_scoped3A : memref<!tpu.dma_semaphore, #tpu.memory_space<semaphore_mem>>) src(%dma_wait3A_564 : memref<128xi32, #tpu.memory_space<hbm>>) dst(%arg10 : memref<128xi32, #tpu.memory_space<vmem>>)
      tpu.yield
    }) : () -> ()
    "tpu.region"() ({
      %run_scoped3A = tpu.sem_alloc : memref<!tpu.dma_semaphore, #tpu.memory_space<semaphore_mem>>
      %dma_start3A = tpu.memref_slice %arg5[%mul3A_2] : memref<4096xi32, #tpu.memory_space<hbm>> -> memref<128xi32, #tpu.memory_space<hbm>>
      %dma_start3A_563 = tpu.memref_slice %arg5[%mul3A_2] : memref<4096xi32, #tpu.memory_space<hbm>> -> memref<128xi32, #tpu.memory_space<hbm>>
      tpu.enqueue_dma source(%dma_start3A_563 : memref<128xi32, #tpu.memory_space<hbm>>) target(%arg11 : memref<128xi32, #tpu.memory_space<vmem>>) target_semaphore(%run_scoped3A : memref<!tpu.dma_semaphore, #tpu.memory_space<semaphore_mem>>)
      %dma_wait3A = tpu.memref_slice %arg5[%mul3A_2] : memref<4096xi32, #tpu.memory_space<hbm>> -> memref<128xi32, #tpu.memory_space<hbm>>
      %dma_wait3A_564 = tpu.memref_slice %arg5[%mul3A_2] : memref<4096xi32, #tpu.memory_space<hbm>> -> memref<128xi32, #tpu.memory_space<hbm>>
      tpu.wait_dma2 semaphore(%run_scoped3A : memref<!tpu.dma_semaphore, #tpu.memory_space<semaphore_mem>>) src(%dma_wait3A_564 : memref<128xi32, #tpu.memory_space<hbm>>) dst(%arg11 : memref<128xi32, #tpu.memory_space<vmem>>)
      tpu.yield
    }) : () -> ()
    %get3A_277 = arith.constant 0 : index
    %get3A_278 = tpu.vector_load %arg10[%get3A_277] {strides = array<i32>} : memref<128xi32, #tpu.memory_space<vmem>>, vector<16xi32>,
    %get3A_279 = vector.shape_cast %get3A_278 : vector<16xi32> to vector<16xi32>
    %get3A_280 = arith.constant 0 : index
    %get3A_281 = tpu.vector_load %arg11[%get3A_280] {strides = array<i32>} : memref<128xi32, #tpu.memory_space<vmem>>, vector<16xi32>,
    %get3A_282 = vector.shape_cast %get3A_281 : vector<16xi32> to vector<16xi32>
    %ge3A_283 = arith.constant 0 : i32
    %ge3A_284 = vector.broadcast %ge3A_283 : i32 to vector<16xi32>
    %ge3A_285 = arith.cmpi sge, %get3A_279, %ge3A_284 : vector<16xi32>
    %lt3A_286 = arith.constant 128 : i32
    %lt3A_287 = vector.broadcast %lt3A_286 : i32 to vector<16xi32>
    %lt3A_288 = arith.cmpi slt, %get3A_279, %lt3A_287 : vector<16xi32>
    %and3A_289 = arith.andi %ge3A_285, %lt3A_288 : vector<16xi1>
    %ge3A_290 = arith.constant 0 : i32
    %ge3A_291 = vector.broadcast %ge3A_290 : i32 to vector<16xi32>
    %ge3A_292 = arith.cmpi sge, %get3A_282, %ge3A_291 : vector<16xi32>
    %and3A_293 = arith.andi %and3A_289, %ge3A_292 : vector<16xi1>
    %lt3A_294 = arith.constant 64 : i32
    %lt3A_295 = vector.broadcast %lt3A_294 : i32 to vector<16xi32>
    %lt3A_296 = arith.cmpi slt, %get3A_282, %lt3A_295 : vector<16xi32>
    %and3A_297 = arith.andi %and3A_293, %lt3A_296 : vector<16xi1>
    %jit3A_298 = arith.constant 127 : i32
    %broadcast_in_dim3A_299 = vector.broadcast %jit3A_298 : i32 to vector<16xi32>
    %select_n3A_300 = arith.select %and3A_297, %get3A_279, %broadcast_in_dim3A_299 : vector<16xi1>, vector<16xi32>
    %swap3A_301 = arith.constant 0 : index
    %swap3A_302 = tpu.vector_load %arg10[%swap3A_301] {strides = array<i32>} : memref<128xi32, #tpu.memory_space<vmem>>, vector<16xi32>,
    %swap3A_303 = vector.shape_cast %swap3A_302 : vector<16xi32> to vector<16xi32>
    %swap3A_304 = vector.shape_cast %select_n3A_300 : vector<16xi32> to vector<16xi32>
    tpu.vector_store %arg10[%swap3A_301], %swap3A_304 {strides = array<i32>} : memref<128xi32, #tpu.memory_space<vmem>>, vector<16xi32>,
    %jit3A_305 = arith.constant 0 : i32
    %broadcast_in_dim3A_306 = vector.broadcast %jit3A_305 : i32 to vector<16xi32>
    %select_n3A_307 = arith.select %and3A_297, %get3A_282, %broadcast_in_dim3A_306 : vector<16xi1>, vector<16xi32>
    %swap3A_308 = arith.constant 0 : index
    %swap3A_309 = tpu.vector_load %arg11[%swap3A_308] {strides = array<i32>} : memref<128xi32, #tpu.memory_space<vmem>>, vector<16xi32>,
    %swap3A_310 = vector.shape_cast %swap3A_309 : vector<16xi32> to vector<16xi32>
    %swap3A_311 = vector.shape_cast %select_n3A_307 : vector<16xi32> to vector<16xi32>
    tpu.vector_store %arg11[%swap3A_308], %swap3A_311 {strides = array<i32>} : memref<128xi32, #tpu.memory_space<vmem>>, vector<16xi32>,
    %get3A_312 = arith.constant 16 : index
    %get3A_313 = tpu.vector_load %arg10[%get3A_312] {strides = array<i32>} : memref<128xi32, #tpu.memory_space<vmem>>, vector<16xi32>,
    %get3A_314 = vector.shape_cast %get3A_313 : vector<16xi32> to vector<16xi32>
    %get3A_315 = arith.constant 16 : index
    %get3A_316 = tpu.vector_load %arg11[%get3A_315] {strides = array<i32>} : memref<128xi32, #tpu.memory_space<vmem>>, vector<16xi32>,
    %get3A_317 = vector.shape_cast %get3A_316 : vector<16xi32> to vector<16xi32>
    %ge3A_318 = arith.constant 0 : i32
    %ge3A_319 = vector.broadcast %ge3A_318 : i32 to vector<16xi32>
    %ge3A_320 = arith.cmpi sge, %get3A_314, %ge3A_319 : vector<16xi32>
    %lt3A_321 = arith.constant 128 : i32
    %lt3A_322 = vector.broadcast %lt3A_321 : i32 to vector<16xi32>
    %lt3A_323 = arith.cmpi slt, %get3A_314, %lt3A_322 : vector<16xi32>
    %and3A_324 = arith.andi %ge3A_320, %lt3A_323 : vector<16xi1>
    %ge3A_325 = arith.constant 0 : i32
    %ge3A_326 = vector.broadcast %ge3A_325 : i32 to vector<16xi32>
    %ge3A_327 = arith.cmpi sge, %get3A_317, %ge3A_326 : vector<16xi32>
    %and3A_328 = arith.andi %and3A_324, %ge3A_327 : vector<16xi1>
    %lt3A_329 = arith.constant 64 : i32
    %lt3A_330 = vector.broadcast %lt3A_329 : i32 to vector<16xi32>
    %lt3A_331 = arith.cmpi slt, %get3A_317, %lt3A_330 : vector<16xi32>
    %and3A_332 = arith.andi %and3A_328, %lt3A_331 : vector<16xi1>
    %jit3A_333 = arith.constant 127 : i32
    %broadcast_in_dim3A_334 = vector.broadcast %jit3A_333 : i32 to vector<16xi32>
    %select_n3A_335 = arith.select %and3A_332, %get3A_314, %broadcast_in_dim3A_334 : vector<16xi1>, vector<16xi32>
    %swap3A_336 = arith.constant 16 : index
    %swap3A_337 = tpu.vector_load %arg10[%swap3A_336] {strides = array<i32>} : memref<128xi32, #tpu.memory_space<vmem>>, vector<16xi32>,
    %swap3A_338 = vector.shape_cast %swap3A_337 : vector<16xi32> to vector<16xi32>
    %swap3A_339 = vector.shape_cast %select_n3A_335 : vector<16xi32> to vector<16xi32>
    tpu.vector_store %arg10[%swap3A_336], %swap3A_339 {strides = array<i32>} : memref<128xi32, #tpu.memory_space<vmem>>, vector<16xi32>,
    %jit3A_340 = arith.constant 0 : i32
    %broadcast_in_dim3A_341 = vector.broadcast %jit3A_340 : i32 to vector<16xi32>
    %select_n3A_342 = arith.select %and3A_332, %get3A_317, %broadcast_in_dim3A_341 : vector<16xi1>, vector<16xi32>
    %swap3A_343 = arith.constant 16 : index
    %swap3A_344 = tpu.vector_load %arg11[%swap3A_343] {strides = array<i32>} : memref<128xi32, #tpu.memory_space<vmem>>, vector<16xi32>,
    %swap3A_345 = vector.shape_cast %swap3A_344 : vector<16xi32> to vector<16xi32>
    %swap3A_346 = vector.shape_cast %select_n3A_342 : vector<16xi32> to vector<16xi32>
    tpu.vector_store %arg11[%swap3A_343], %swap3A_346 {strides = array<i32>} : memref<128xi32, #tpu.memory_space<vmem>>, vector<16xi32>,
    %get3A_347 = arith.constant 32 : index
    %get3A_348 = tpu.vector_load %arg10[%get3A_347] {strides = array<i32>} : memref<128xi32, #tpu.memory_space<vmem>>, vector<16xi32>,
    %get3A_349 = vector.shape_cast %get3A_348 : vector<16xi32> to vector<16xi32>
    %get3A_350 = arith.constant 32 : index
    %get3A_351 = tpu.vector_load %arg11[%get3A_350] {strides = array<i32>} : memref<128xi32, #tpu.memory_space<vmem>>, vector<16xi32>,
    %get3A_352 = vector.shape_cast %get3A_351 : vector<16xi32> to vector<16xi32>
    %ge3A_353 = arith.constant 0 : i32
    %ge3A_354 = vector.broadcast %ge3A_353 : i32 to vector<16xi32>
    %ge3A_355 = arith.cmpi sge, %get3A_349, %ge3A_354 : vector<16xi32>
    %lt3A_356 = arith.constant 128 : i32
    %lt3A_357 = vector.broadcast %lt3A_356 : i32 to vector<16xi32>
    %lt3A_358 = arith.cmpi slt, %get3A_349, %lt3A_357 : vector<16xi32>
    %and3A_359 = arith.andi %ge3A_355, %lt3A_358 : vector<16xi1>
    %ge3A_360 = arith.constant 0 : i32
    %ge3A_361 = vector.broadcast %ge3A_360 : i32 to vector<16xi32>
    %ge3A_362 = arith.cmpi sge, %get3A_352, %ge3A_361 : vector<16xi32>
    %and3A_363 = arith.andi %and3A_359, %ge3A_362 : vector<16xi1>
    %lt3A_364 = arith.constant 64 : i32
    %lt3A_365 = vector.broadcast %lt3A_364 : i32 to vector<16xi32>
    %lt3A_366 = arith.cmpi slt, %get3A_352, %lt3A_365 : vector<16xi32>
    %and3A_367 = arith.andi %and3A_363, %lt3A_366 : vector<16xi1>
    %jit3A_368 = arith.constant 127 : i32
    %broadcast_in_dim3A_369 = vector.broadcast %jit3A_368 : i32 to vector<16xi32>
    %select_n3A_370 = arith.select %and3A_367, %get3A_349, %broadcast_in_dim3A_369 : vector<16xi1>, vector<16xi32>
    %swap3A_371 = arith.constant 32 : index
    %swap3A_372 = tpu.vector_load %arg10[%swap3A_371] {strides = array<i32>} : memref<128xi32, #tpu.memory_space<vmem>>, vector<16xi32>,
    %swap3A_373 = vector.shape_cast %swap3A_372 : vector<16xi32> to vector<16xi32>
    %swap3A_374 = vector.shape_cast %select_n3A_370 : vector<16xi32> to vector<16xi32>
    tpu.vector_store %arg10[%swap3A_371], %swap3A_374 {strides = array<i32>} : memref<128xi32, #tpu.memory_space<vmem>>, vector<16xi32>,
    %jit3A_375 = arith.constant 0 : i32
    %broadcast_in_dim3A_376 = vector.broadcast %jit3A_375 : i32 to vector<16xi32>
    %select_n3A_377 = arith.select %and3A_367, %get3A_352, %broadcast_in_dim3A_376 : vector<16xi1>, vector<16xi32>
    %swap3A_378 = arith.constant 32 : index
    %swap3A_379 = tpu.vector_load %arg11[%swap3A_378] {strides = array<i32>} : memref<128xi32, #tpu.memory_space<vmem>>, vector<16xi32>,
    %swap3A_380 = vector.shape_cast %swap3A_379 : vector<16xi32> to vector<16xi32>
    %swap3A_381 = vector.shape_cast %select_n3A_377 : vector<16xi32> to vector<16xi32>
    tpu.vector_store %arg11[%swap3A_378], %swap3A_381 {strides = array<i32>} : memref<128xi32, #tpu.memory_space<vmem>>, vector<16xi32>,
    %get3A_382 = arith.constant 48 : index
    %get3A_383 = tpu.vector_load %arg10[%get3A_382] {strides = array<i32>} : memref<128xi32, #tpu.memory_space<vmem>>, vector<16xi32>,
    %get3A_384 = vector.shape_cast %get3A_383 : vector<16xi32> to vector<16xi32>
    %get3A_385 = arith.constant 48 : index
    %get3A_386 = tpu.vector_load %arg11[%get3A_385] {strides = array<i32>} : memref<128xi32, #tpu.memory_space<vmem>>, vector<16xi32>,
    %get3A_387 = vector.shape_cast %get3A_386 : vector<16xi32> to vector<16xi32>
    %ge3A_388 = arith.constant 0 : i32
    %ge3A_389 = vector.broadcast %ge3A_388 : i32 to vector<16xi32>
    %ge3A_390 = arith.cmpi sge, %get3A_384, %ge3A_389 : vector<16xi32>
    %lt3A_391 = arith.constant 128 : i32
    %lt3A_392 = vector.broadcast %lt3A_391 : i32 to vector<16xi32>
    %lt3A_393 = arith.cmpi slt, %get3A_384, %lt3A_392 : vector<16xi32>
    %and3A_394 = arith.andi %ge3A_390, %lt3A_393 : vector<16xi1>
    %ge3A_395 = arith.constant 0 : i32
    %ge3A_396 = vector.broadcast %ge3A_395 : i32 to vector<16xi32>
    %ge3A_397 = arith.cmpi sge, %get3A_387, %ge3A_396 : vector<16xi32>
    %and3A_398 = arith.andi %and3A_394, %ge3A_397 : vector<16xi1>
    %lt3A_399 = arith.constant 64 : i32
    %lt3A_400 = vector.broadcast %lt3A_399 : i32 to vector<16xi32>
    %lt3A_401 = arith.cmpi slt, %get3A_387, %lt3A_400 : vector<16xi32>
    %and3A_402 = arith.andi %and3A_398, %lt3A_401 : vector<16xi1>
    %jit3A_403 = arith.constant 127 : i32
    %broadcast_in_dim3A_404 = vector.broadcast %jit3A_403 : i32 to vector<16xi32>
    %select_n3A_405 = arith.select %and3A_402, %get3A_384, %broadcast_in_dim3A_404 : vector<16xi1>, vector<16xi32>
    %swap3A_406 = arith.constant 48 : index
    %swap3A_407 = tpu.vector_load %arg10[%swap3A_406] {strides = array<i32>} : memref<128xi32, #tpu.memory_space<vmem>>, vector<16xi32>,
    %swap3A_408 = vector.shape_cast %swap3A_407 : vector<16xi32> to vector<16xi32>
    %swap3A_409 = vector.shape_cast %select_n3A_405 : vector<16xi32> to vector<16xi32>
    tpu.vector_store %arg10[%swap3A_406], %swap3A_409 {strides = array<i32>} : memref<128xi32, #tpu.memory_space<vmem>>, vector<16xi32>,
    %jit3A_410 = arith.constant 0 : i32
    %broadcast_in_dim3A_411 = vector.broadcast %jit3A_410 : i32 to vector<16xi32>
    %select_n3A_412 = arith.select %and3A_402, %get3A_387, %broadcast_in_dim3A_411 : vector<16xi1>, vector<16xi32>
    %swap3A_413 = arith.constant 48 : index
    %swap3A_414 = tpu.vector_load %arg11[%swap3A_413] {strides = array<i32>} : memref<128xi32, #tpu.memory_space<vmem>>, vector<16xi32>,
    %swap3A_415 = vector.shape_cast %swap3A_414 : vector<16xi32> to vector<16xi32>
    %swap3A_416 = vector.shape_cast %select_n3A_412 : vector<16xi32> to vector<16xi32>
    tpu.vector_store %arg11[%swap3A_413], %swap3A_416 {strides = array<i32>} : memref<128xi32, #tpu.memory_space<vmem>>, vector<16xi32>,
    %get3A_417 = arith.constant 64 : index
    %get3A_418 = tpu.vector_load %arg10[%get3A_417] {strides = array<i32>} : memref<128xi32, #tpu.memory_space<vmem>>, vector<16xi32>,
    %get3A_419 = vector.shape_cast %get3A_418 : vector<16xi32> to vector<16xi32>
    %get3A_420 = arith.constant 64 : index
    %get3A_421 = tpu.vector_load %arg11[%get3A_420] {strides = array<i32>} : memref<128xi32, #tpu.memory_space<vmem>>, vector<16xi32>,
    %get3A_422 = vector.shape_cast %get3A_421 : vector<16xi32> to vector<16xi32>
    %ge3A_423 = arith.constant 0 : i32
    %ge3A_424 = vector.broadcast %ge3A_423 : i32 to vector<16xi32>
    %ge3A_425 = arith.cmpi sge, %get3A_419, %ge3A_424 : vector<16xi32>
    %lt3A_426 = arith.constant 128 : i32
    %lt3A_427 = vector.broadcast %lt3A_426 : i32 to vector<16xi32>
    %lt3A_428 = arith.cmpi slt, %get3A_419, %lt3A_427 : vector<16xi32>
    %and3A_429 = arith.andi %ge3A_425, %lt3A_428 : vector<16xi1>
    %ge3A_430 = arith.constant 0 : i32
    %ge3A_431 = vector.broadcast %ge3A_430 : i32 to vector<16xi32>
    %ge3A_432 = arith.cmpi sge, %get3A_422, %ge3A_431 : vector<16xi32>
    %and3A_433 = arith.andi %and3A_429, %ge3A_432 : vector<16xi1>
    %lt3A_434 = arith.constant 64 : i32
    %lt3A_435 = vector.broadcast %lt3A_434 : i32 to vector<16xi32>
    %lt3A_436 = arith.cmpi slt, %get3A_422, %lt3A_435 : vector<16xi32>
    %and3A_437 = arith.andi %and3A_433, %lt3A_436 : vector<16xi1>
    %jit3A_438 = arith.constant 127 : i32
    %broadcast_in_dim3A_439 = vector.broadcast %jit3A_438 : i32 to vector<16xi32>
    %select_n3A_440 = arith.select %and3A_437, %get3A_419, %broadcast_in_dim3A_439 : vector<16xi1>, vector<16xi32>
    %swap3A_441 = arith.constant 64 : index
    %swap3A_442 = tpu.vector_load %arg10[%swap3A_441] {strides = array<i32>} : memref<128xi32, #tpu.memory_space<vmem>>, vector<16xi32>,
    %swap3A_443 = vector.shape_cast %swap3A_442 : vector<16xi32> to vector<16xi32>
    %swap3A_444 = vector.shape_cast %select_n3A_440 : vector<16xi32> to vector<16xi32>
    tpu.vector_store %arg10[%swap3A_441], %swap3A_444 {strides = array<i32>} : memref<128xi32, #tpu.memory_space<vmem>>, vector<16xi32>,
    %jit3A_445 = arith.constant 0 : i32
    %broadcast_in_dim3A_446 = vector.broadcast %jit3A_445 : i32 to vector<16xi32>
    %select_n3A_447 = arith.select %and3A_437, %get3A_422, %broadcast_in_dim3A_446 : vector<16xi1>, vector<16xi32>
    %swap3A_448 = arith.constant 64 : index
    %swap3A_449 = tpu.vector_load %arg11[%swap3A_448] {strides = array<i32>} : memref<128xi32, #tpu.memory_space<vmem>>, vector<16xi32>,
    %swap3A_450 = vector.shape_cast %swap3A_449 : vector<16xi32> to vector<16xi32>
    %swap3A_451 = vector.shape_cast %select_n3A_447 : vector<16xi32> to vector<16xi32>
    tpu.vector_store %arg11[%swap3A_448], %swap3A_451 {strides = array<i32>} : memref<128xi32, #tpu.memory_space<vmem>>, vector<16xi32>,
    %get3A_452 = arith.constant 80 : index
    %get3A_453 = tpu.vector_load %arg10[%get3A_452] {strides = array<i32>} : memref<128xi32, #tpu.memory_space<vmem>>, vector<16xi32>,
    %get3A_454 = vector.shape_cast %get3A_453 : vector<16xi32> to vector<16xi32>
    %get3A_455 = arith.constant 80 : index
    %get3A_456 = tpu.vector_load %arg11[%get3A_455] {strides = array<i32>} : memref<128xi32, #tpu.memory_space<vmem>>, vector<16xi32>,
    %get3A_457 = vector.shape_cast %get3A_456 : vector<16xi32> to vector<16xi32>
    %ge3A_458 = arith.constant 0 : i32
    %ge3A_459 = vector.broadcast %ge3A_458 : i32 to vector<16xi32>
    %ge3A_460 = arith.cmpi sge, %get3A_454, %ge3A_459 : vector<16xi32>
    %lt3A_461 = arith.constant 128 : i32
    %lt3A_462 = vector.broadcast %lt3A_461 : i32 to vector<16xi32>
    %lt3A_463 = arith.cmpi slt, %get3A_454, %lt3A_462 : vector<16xi32>
    %and3A_464 = arith.andi %ge3A_460, %lt3A_463 : vector<16xi1>
    %ge3A_465 = arith.constant 0 : i32
    %ge3A_466 = vector.broadcast %ge3A_465 : i32 to vector<16xi32>
    %ge3A_467 = arith.cmpi sge, %get3A_457, %ge3A_466 : vector<16xi32>
    %and3A_468 = arith.andi %and3A_464, %ge3A_467 : vector<16xi1>
    %lt3A_469 = arith.constant 64 : i32
    %lt3A_470 = vector.broadcast %lt3A_469 : i32 to vector<16xi32>
    %lt3A_471 = arith.cmpi slt, %get3A_457, %lt3A_470 : vector<16xi32>
    %and3A_472 = arith.andi %and3A_468, %lt3A_471 : vector<16xi1>
    %jit3A_473 = arith.constant 127 : i32
    %broadcast_in_dim3A_474 = vector.broadcast %jit3A_473 : i32 to vector<16xi32>
    %select_n3A_475 = arith.select %and3A_472, %get3A_454, %broadcast_in_dim3A_474 : vector<16xi1>, vector<16xi32>
    %swap3A_476 = arith.constant 80 : index
    %swap3A_477 = tpu.vector_load %arg10[%swap3A_476] {strides = array<i32>} : memref<128xi32, #tpu.memory_space<vmem>>, vector<16xi32>,
    %swap3A_478 = vector.shape_cast %swap3A_477 : vector<16xi32> to vector<16xi32>
    %swap3A_479 = vector.shape_cast %select_n3A_475 : vector<16xi32> to vector<16xi32>
    tpu.vector_store %arg10[%swap3A_476], %swap3A_479 {strides = array<i32>} : memref<128xi32, #tpu.memory_space<vmem>>, vector<16xi32>,
    %jit3A_480 = arith.constant 0 : i32
    %broadcast_in_dim3A_481 = vector.broadcast %jit3A_480 : i32 to vector<16xi32>
    %select_n3A_482 = arith.select %and3A_472, %get3A_457, %broadcast_in_dim3A_481 : vector<16xi1>, vector<16xi32>
    %swap3A_483 = arith.constant 80 : index
    %swap3A_484 = tpu.vector_load %arg11[%swap3A_483] {strides = array<i32>} : memref<128xi32, #tpu.memory_space<vmem>>, vector<16xi32>,
    %swap3A_485 = vector.shape_cast %swap3A_484 : vector<16xi32> to vector<16xi32>
    %swap3A_486 = vector.shape_cast %select_n3A_482 : vector<16xi32> to vector<16xi32>
    tpu.vector_store %arg11[%swap3A_483], %swap3A_486 {strides = array<i32>} : memref<128xi32, #tpu.memory_space<vmem>>, vector<16xi32>,
    %get3A_487 = arith.constant 96 : index
    %get3A_488 = tpu.vector_load %arg10[%get3A_487] {strides = array<i32>} : memref<128xi32, #tpu.memory_space<vmem>>, vector<16xi32>,
    %get3A_489 = vector.shape_cast %get3A_488 : vector<16xi32> to vector<16xi32>
    %get3A_490 = arith.constant 96 : index
    %get3A_491 = tpu.vector_load %arg11[%get3A_490] {strides = array<i32>} : memref<128xi32, #tpu.memory_space<vmem>>, vector<16xi32>,
    %get3A_492 = vector.shape_cast %get3A_491 : vector<16xi32> to vector<16xi32>
    %ge3A_493 = arith.constant 0 : i32
    %ge3A_494 = vector.broadcast %ge3A_493 : i32 to vector<16xi32>
    %ge3A_495 = arith.cmpi sge, %get3A_489, %ge3A_494 : vector<16xi32>
    %lt3A_496 = arith.constant 128 : i32
    %lt3A_497 = vector.broadcast %lt3A_496 : i32 to vector<16xi32>
    %lt3A_498 = arith.cmpi slt, %get3A_489, %lt3A_497 : vector<16xi32>
    %and3A_499 = arith.andi %ge3A_495, %lt3A_498 : vector<16xi1>
    %ge3A_500 = arith.constant 0 : i32
    %ge3A_501 = vector.broadcast %ge3A_500 : i32 to vector<16xi32>
    %ge3A_502 = arith.cmpi sge, %get3A_492, %ge3A_501 : vector<16xi32>
    %and3A_503 = arith.andi %and3A_499, %ge3A_502 : vector<16xi1>
    %lt3A_504 = arith.constant 64 : i32
    %lt3A_505 = vector.broadcast %lt3A_504 : i32 to vector<16xi32>
    %lt3A_506 = arith.cmpi slt, %get3A_492, %lt3A_505 : vector<16xi32>
    %and3A_507 = arith.andi %and3A_503, %lt3A_506 : vector<16xi1>
    %jit3A_508 = arith.constant 127 : i32
    %broadcast_in_dim3A_509 = vector.broadcast %jit3A_508 : i32 to vector<16xi32>
    %select_n3A_510 = arith.select %and3A_507, %get3A_489, %broadcast_in_dim3A_509 : vector<16xi1>, vector<16xi32>
    %swap3A_511 = arith.constant 96 : index
    %swap3A_512 = tpu.vector_load %arg10[%swap3A_511] {strides = array<i32>} : memref<128xi32, #tpu.memory_space<vmem>>, vector<16xi32>,
    %swap3A_513 = vector.shape_cast %swap3A_512 : vector<16xi32> to vector<16xi32>
    %swap3A_514 = vector.shape_cast %select_n3A_510 : vector<16xi32> to vector<16xi32>
    tpu.vector_store %arg10[%swap3A_511], %swap3A_514 {strides = array<i32>} : memref<128xi32, #tpu.memory_space<vmem>>, vector<16xi32>,
    %jit3A_515 = arith.constant 0 : i32
    %broadcast_in_dim3A_516 = vector.broadcast %jit3A_515 : i32 to vector<16xi32>
    %select_n3A_517 = arith.select %and3A_507, %get3A_492, %broadcast_in_dim3A_516 : vector<16xi1>, vector<16xi32>
    %swap3A_518 = arith.constant 96 : index
    %swap3A_519 = tpu.vector_load %arg11[%swap3A_518] {strides = array<i32>} : memref<128xi32, #tpu.memory_space<vmem>>, vector<16xi32>,
    %swap3A_520 = vector.shape_cast %swap3A_519 : vector<16xi32> to vector<16xi32>
    %swap3A_521 = vector.shape_cast %select_n3A_517 : vector<16xi32> to vector<16xi32>
    tpu.vector_store %arg11[%swap3A_518], %swap3A_521 {strides = array<i32>} : memref<128xi32, #tpu.memory_space<vmem>>, vector<16xi32>,
    %get3A_522 = arith.constant 112 : index
    %get3A_523 = tpu.vector_load %arg10[%get3A_522] {strides = array<i32>} : memref<128xi32, #tpu.memory_space<vmem>>, vector<16xi32>,
    %get3A_524 = vector.shape_cast %get3A_523 : vector<16xi32> to vector<16xi32>
    %get3A_525 = arith.constant 112 : index
    %get3A_526 = tpu.vector_load %arg11[%get3A_525] {strides = array<i32>} : memref<128xi32, #tpu.memory_space<vmem>>, vector<16xi32>,
    %get3A_527 = vector.shape_cast %get3A_526 : vector<16xi32> to vector<16xi32>
    %ge3A_528 = arith.constant 0 : i32
    %ge3A_529 = vector.broadcast %ge3A_528 : i32 to vector<16xi32>
    %ge3A_530 = arith.cmpi sge, %get3A_524, %ge3A_529 : vector<16xi32>
    %lt3A_531 = arith.constant 128 : i32
    %lt3A_532 = vector.broadcast %lt3A_531 : i32 to vector<16xi32>
    %lt3A_533 = arith.cmpi slt, %get3A_524, %lt3A_532 : vector<16xi32>
    %and3A_534 = arith.andi %ge3A_530, %lt3A_533 : vector<16xi1>
    %ge3A_535 = arith.constant 0 : i32
    %ge3A_536 = vector.broadcast %ge3A_535 : i32 to vector<16xi32>
    %ge3A_537 = arith.cmpi sge, %get3A_527, %ge3A_536 : vector<16xi32>
    %and3A_538 = arith.andi %and3A_534, %ge3A_537 : vector<16xi1>
    %lt3A_539 = arith.constant 64 : i32
    %lt3A_540 = vector.broadcast %lt3A_539 : i32 to vector<16xi32>
    %lt3A_541 = arith.cmpi slt, %get3A_527, %lt3A_540 : vector<16xi32>
    %and3A_542 = arith.andi %and3A_538, %lt3A_541 : vector<16xi1>
    %jit3A_543 = arith.constant 127 : i32
    %broadcast_in_dim3A_544 = vector.broadcast %jit3A_543 : i32 to vector<16xi32>
    %select_n3A_545 = arith.select %and3A_542, %get3A_524, %broadcast_in_dim3A_544 : vector<16xi1>, vector<16xi32>
    %swap3A_546 = arith.constant 112 : index
    %swap3A_547 = tpu.vector_load %arg10[%swap3A_546] {strides = array<i32>} : memref<128xi32, #tpu.memory_space<vmem>>, vector<16xi32>,
    %swap3A_548 = vector.shape_cast %swap3A_547 : vector<16xi32> to vector<16xi32>
    %swap3A_549 = vector.shape_cast %select_n3A_545 : vector<16xi32> to vector<16xi32>
    tpu.vector_store %arg10[%swap3A_546], %swap3A_549 {strides = array<i32>} : memref<128xi32, #tpu.memory_space<vmem>>, vector<16xi32>,
    %jit3A_550 = arith.constant 0 : i32
    %broadcast_in_dim3A_551 = vector.broadcast %jit3A_550 : i32 to vector<16xi32>
    %select_n3A_552 = arith.select %and3A_542, %get3A_527, %broadcast_in_dim3A_551 : vector<16xi1>, vector<16xi32>
    %swap3A_553 = arith.constant 112 : index
    %swap3A_554 = tpu.vector_load %arg11[%swap3A_553] {strides = array<i32>} : memref<128xi32, #tpu.memory_space<vmem>>, vector<16xi32>,
    %swap3A_555 = vector.shape_cast %swap3A_554 : vector<16xi32> to vector<16xi32>
    %swap3A_556 = vector.shape_cast %select_n3A_552 : vector<16xi32> to vector<16xi32>
    tpu.vector_store %arg11[%swap3A_553], %swap3A_556 {strides = array<i32>} : memref<128xi32, #tpu.memory_space<vmem>>, vector<16xi32>,
    "tpu.region"() ({
      %run_scoped3A = tpu.sem_alloc : memref<!tpu.dma_semaphore, #tpu.memory_space<semaphore_mem>>
      %dma_start3A = arith.constant 0 : i32
      %dma_start3A_563 = arith.constant 0 : i32
      %dma_start3A_564 = tpu.memref_slice %arg6[%dma_start3A, %dma_start3A_563] : memref<128x128xf32, #tpu.memory_space<hbm>> -> memref<128x128xf32, #tpu.memory_space<hbm>>
      tpu.enqueue_indirect_dma source(%dma_start3A_564 : memref<128x128xf32, #tpu.memory_space<hbm>>) target(%arg12 : memref<128x128xf32, #tpu.memory_space<vmem>>) offsets(%arg11 : memref<128xi32, #tpu.memory_space<vmem>>) semaphore(%run_scoped3A : memref<!tpu.dma_semaphore, #tpu.memory_space<semaphore_mem>>)
      %dma_wait3A = arith.constant 0 : i32
      %dma_wait3A_565 = arith.constant 0 : i32
      %dma_wait3A_566 = tpu.memref_slice %arg6[%dma_wait3A, %dma_wait3A_565] : memref<128x128xf32, #tpu.memory_space<hbm>> -> memref<128x128xf32, #tpu.memory_space<hbm>>
      tpu.wait_indirect_dma semaphore(%run_scoped3A : memref<!tpu.dma_semaphore, #tpu.memory_space<semaphore_mem>>) src(%dma_wait3A_566 : memref<128x128xf32, #tpu.memory_space<hbm>>) dst(%arg12 : memref<128x128xf32, #tpu.memory_space<vmem>>)
      tpu.yield
    }) : () -> ()
    "tpu.region"() ({
      %run_scoped3A = tpu.sem_alloc : memref<!tpu.dma_semaphore, #tpu.memory_space<semaphore_mem>>
      %dma_start3A = arith.constant 0 : i32
      %dma_start3A_563 = arith.constant 0 : i32
      %dma_start3A_564 = tpu.memref_slice %arg14[%dma_start3A, %dma_start3A_563] : memref<128x128xf32, #tpu.memory_space<vmem_shared>> -> memref<128x128xf32, #tpu.memory_space<vmem_shared>>
      tpu.enqueue_indirect_dma source(%arg12 : memref<128x128xf32, #tpu.memory_space<vmem>>) target(%dma_start3A_564 : memref<128x128xf32, #tpu.memory_space<vmem_shared>>) offsets(%arg10 : memref<128xi32, #tpu.memory_space<vmem>>) semaphore(%run_scoped3A : memref<!tpu.dma_semaphore, #tpu.memory_space<semaphore_mem>>) {add = true}
      %dma_wait3A = arith.constant 0 : i32
      %dma_wait3A_565 = arith.constant 0 : i32
      %dma_wait3A_566 = tpu.memref_slice %arg14[%dma_wait3A, %dma_wait3A_565] : memref<128x128xf32, #tpu.memory_space<vmem_shared>> -> memref<128x128xf32, #tpu.memory_space<vmem_shared>>
      tpu.wait_indirect_dma semaphore(%run_scoped3A : memref<!tpu.dma_semaphore, #tpu.memory_space<semaphore_mem>>) src(%arg12 : memref<128x128xf32, #tpu.memory_space<vmem>>) dst(%dma_wait3A_566 : memref<128x128xf32, #tpu.memory_space<vmem_shared>>)
      tpu.yield
    }) : () -> ()
    %barrier3A_557 = arith.constant 0 : index
    tpu.barrier barrier_id(%barrier3A_557)
    %eq3A_558 = arith.constant 0 : i32
    %eq3A_559 = arith.cmpi eq, %arg1, %eq3A_558 : i32
    %convert_element_type3A_560 = arith.extui %eq3A_559 : i1 to i32
    %cond3A_561 = arith.constant 0 : i32
    %cond3A_562 = arith.cmpi ne, %convert_element_type3A_560, %cond3A_561 : i32
    scf.if %cond3A_562 {
      "tpu.region"() ({
        %run_scoped3A = tpu.sem_alloc : memref<!tpu.dma_semaphore, #tpu.memory_space<semaphore_mem>>
        %dma_start3A = arith.constant 0 : i32
        %dma_start3A_563 = arith.constant 0 : i32
        %dma_start3A_564 = tpu.memref_slice %arg8[%arg0, %dma_start3A, %dma_start3A_563] : memref<2x128x128xf32, #tpu.memory_space<hbm>> -> memref<1x128x128xf32, #tpu.memory_space<hbm>>
        %dma_start3A_565 = tpu.memref_squeeze %dma_start3A_564 : memref<1x128x128xf32, #tpu.memory_space<hbm>> -> memref<128x128xf32, #tpu.memory_space<hbm>>
        tpu.enqueue_dma source(%arg13 : memref<128x128xf32, #tpu.memory_space<vmem_shared>>) target(%dma_start3A_565 : memref<128x128xf32, #tpu.memory_space<hbm>>) target_semaphore(%run_scoped3A : memref<!tpu.dma_semaphore, #tpu.memory_space<semaphore_mem>>)
        %dma_wait3A = arith.constant 0 : i32
        %dma_wait3A_566 = arith.constant 0 : i32
        %dma_wait3A_567 = tpu.memref_slice %arg8[%arg0, %dma_wait3A, %dma_wait3A_566] : memref<2x128x128xf32, #tpu.memory_space<hbm>> -> memref<1x128x128xf32, #tpu.memory_space<hbm>>
        %dma_wait3A_568 = tpu.memref_squeeze %dma_wait3A_567 : memref<1x128x128xf32, #tpu.memory_space<hbm>> -> memref<128x128xf32, #tpu.memory_space<hbm>>
        tpu.wait_dma2 semaphore(%run_scoped3A : memref<!tpu.dma_semaphore, #tpu.memory_space<semaphore_mem>>) src(%arg13 : memref<128x128xf32, #tpu.memory_space<vmem_shared>>) dst(%dma_wait3A_568 : memref<128x128xf32, #tpu.memory_space<hbm>>)
        tpu.yield
      }) : () -> ()
      "tpu.region"() ({
        %run_scoped3A = tpu.sem_alloc : memref<!tpu.dma_semaphore, #tpu.memory_space<semaphore_mem>>
        %dma_start3A = arith.constant 0 : i32
        %dma_start3A_563 = arith.constant 0 : i32
        %dma_start3A_564 = tpu.memref_slice %arg9[%arg0, %dma_start3A, %dma_start3A_563] : memref<2x128x128xf32, #tpu.memory_space<hbm>> -> memref<1x128x128xf32, #tpu.memory_space<hbm>>
        %dma_start3A_565 = tpu.memref_squeeze %dma_start3A_564 : memref<1x128x128xf32, #tpu.memory_space<hbm>> -> memref<128x128xf32, #tpu.memory_space<hbm>>
        tpu.enqueue_dma source(%arg14 : memref<128x128xf32, #tpu.memory_space<vmem_shared>>) target(%dma_start3A_565 : memref<128x128xf32, #tpu.memory_space<hbm>>) target_semaphore(%run_scoped3A : memref<!tpu.dma_semaphore, #tpu.memory_space<semaphore_mem>>)
        %dma_wait3A = arith.constant 0 : i32
        %dma_wait3A_566 = arith.constant 0 : i32
        %dma_wait3A_567 = tpu.memref_slice %arg9[%arg0, %dma_wait3A, %dma_wait3A_566] : memref<2x128x128xf32, #tpu.memory_space<hbm>> -> memref<1x128x128xf32, #tpu.memory_space<hbm>>
        %dma_wait3A_568 = tpu.memref_squeeze %dma_wait3A_567 : memref<1x128x128xf32, #tpu.memory_space<hbm>> -> memref<128x128xf32, #tpu.memory_space<hbm>>
        tpu.wait_dma2 semaphore(%run_scoped3A : memref<!tpu.dma_semaphore, #tpu.memory_space<semaphore_mem>>) src(%arg14 : memref<128x128xf32, #tpu.memory_space<vmem_shared>>) dst(%dma_wait3A_568 : memref<128x128xf32, #tpu.memory_space<hbm>>)
        tpu.yield
      }) : () -> ()
    } else {
    }
    return
  }
}

module attributes {stable_mosaic.version = 14 : i64} {
  func.func @_tca_body(%arg0: memref<64x600xf32, #tpu.memory_space<vmem>>, %arg1: memref<64x600xf32, #tpu.memory_space<vmem>>, %arg2: memref<4096xi32, #tpu.memory_space<vmem>>, %arg3: memref<4096xi32, #tpu.memory_space<vmem>>, %arg4: memref<4096xi32, #tpu.memory_space<vmem>>, %arg5: memref<4096xi32, #tpu.memory_space<vmem>>, %arg6: memref<4096xi32, #tpu.memory_space<vmem>>, %arg7: memref<4096xi32, #tpu.memory_space<vmem>>, %arg8: memref<4096x300xf32, #tpu.memory_space<vmem>>, %arg9: memref<4096x300xf32, #tpu.memory_space<vmem>>, %arg10: memref<4096x300xf32, #tpu.memory_space<vmem>>, %arg11: memref<4096x300xf32, #tpu.memory_space<vmem>>, %arg12: memref<600x300xf32, #tpu.memory_space<vmem>>, %arg13: memref<300x300xf32, #tpu.memory_space<vmem>>, %arg14: memref<600x300xf32, #tpu.memory_space<vmem>>, %arg15: memref<300x300xf32, #tpu.memory_space<vmem>>, %arg16: memref<300x300xf32, #tpu.memory_space<vmem>>, %arg17: memref<300x300xf32, #tpu.memory_space<vmem>>, %arg18: memref<64x300xf32, #tpu.memory_space<vmem>>, %arg19: memref<64x300xf32, #tpu.memory_space<vmem>>, %arg20: memref<64x300xf32, #tpu.memory_space<vmem>>, %arg21: memref<64x300xf32, #tpu.memory_space<vmem>>, %arg22: memref<64x300xf32, #tpu.memory_space<vmem>>, %arg23: memref<64x300xf32, #tpu.memory_space<vmem>>, %arg24: memref<64x128xf32, #tpu.memory_space<vmem>>, %arg25: memref<64x128xf32, #tpu.memory_space<vmem>>) attributes {dimension_semantics = [], scalar_prefetch = 0 : i64, scratch_operands = 0 : i64, tpu.core_type = #tpu.core_type<tc>} {
    %get3A = arith.constant 0 : index
    %get3A_0 = arith.constant 0 : index
    %get3A_1 = vector.load %arg0[%get3A, %get3A_0] : memref<64x600xf32, #tpu.memory_space<vmem>>, vector<64x600xf32>
    %get3A_2 = arith.constant 0 : index
    %get3A_3 = arith.constant 0 : index
    %get3A_4 = vector.load %arg12[%get3A_2, %get3A_3] : memref<600x300xf32, #tpu.memory_space<vmem>>, vector<600x300xf32>
    %dot_general3A = arith.constant dense<0.000000e+00> : vector<64x300xf32>
    %dot_general3A_5 = tpu.matmul %get3A_1, %get3A_4, %dot_general3A {dimension_numbers = #tpu.dot_dimension_numbers<[1], [0], [0], [1], [0, 0, 1, 1], [], []>, transpose_lhs_hint = false} : vector<64x600xf32>, vector<600x300xf32>, vector<64x300xf32> -> vector<64x300xf32>
    %swap3A = arith.constant 0 : index
    %swap3A_6 = arith.constant 0 : index
    %swap3A_7 = vector.load %arg18[%swap3A, %swap3A_6] : memref<64x300xf32, #tpu.memory_space<vmem>>, vector<64x300xf32>
    tpu.vector_store %arg18[%swap3A, %swap3A_6], %dot_general3A_5 {strides = array<i32>} : memref<64x300xf32, #tpu.memory_space<vmem>>, vector<64x300xf32>,
    %get3A_8 = arith.constant 0 : index
    %get3A_9 = arith.constant 0 : index
    %get3A_10 = vector.load %arg1[%get3A_8, %get3A_9] : memref<64x600xf32, #tpu.memory_space<vmem>>, vector<64x600xf32>
    %get3A_11 = arith.constant 0 : index
    %get3A_12 = arith.constant 0 : index
    %get3A_13 = vector.load %arg14[%get3A_11, %get3A_12] : memref<600x300xf32, #tpu.memory_space<vmem>>, vector<600x300xf32>
    %dot_general3A_14 = arith.constant dense<0.000000e+00> : vector<64x300xf32>
    %dot_general3A_15 = tpu.matmul %get3A_10, %get3A_13, %dot_general3A_14 {dimension_numbers = #tpu.dot_dimension_numbers<[1], [0], [0], [1], [0, 0, 1, 1], [], []>, transpose_lhs_hint = false} : vector<64x600xf32>, vector<600x300xf32>, vector<64x300xf32> -> vector<64x300xf32>
    %swap3A_16 = arith.constant 0 : index
    %swap3A_17 = arith.constant 0 : index
    %swap3A_18 = vector.load %arg19[%swap3A_16, %swap3A_17] : memref<64x300xf32, #tpu.memory_space<vmem>>, vector<64x300xf32>
    tpu.vector_store %arg19[%swap3A_16, %swap3A_17], %dot_general3A_15 {strides = array<i32>} : memref<64x300xf32, #tpu.memory_space<vmem>>, vector<64x300xf32>,
    %get3A_19 = arith.constant 0 : index
    %get3A_20 = vector.load %arg2[%get3A_19] : memref<4096xi32, #tpu.memory_space<vmem>>, vector<4096xi32>
    %get3A_21 = arith.constant 0 : index
    %get3A_22 = arith.constant 0 : index
    %get3A_23 = vector.load %arg8[%get3A_21, %get3A_22] : memref<4096x300xf32, #tpu.memory_space<vmem>>, vector<4096x300xf32>
    %get3A_24 = arith.constant 0 : index
    %get3A_25 = arith.constant 0 : index
    %get3A_26 = vector.load %arg13[%get3A_24, %get3A_25] : memref<300x300xf32, #tpu.memory_space<vmem>>, vector<300x300xf32>
    %broadcast_in_dim3A = vector.shape_cast %get3A_20 : vector<4096xi32> to vector<4096x1xi32>
    %iota3A = tpu.iota {dimensions = array<i32: 1>} : vector<4096x64xi32>
    %eq3A = vector.broadcast %broadcast_in_dim3A : vector<4096x1xi32> to vector<4096x64xi32>
    %eq3A_27 = arith.cmpi eq, %eq3A, %iota3A : vector<4096x64xi32>
    %jit3A = arith.constant 1.000000e+00 : f32
    %jit3A_28 = arith.constant 0.000000e+00 : f32
    %broadcast_in_dim3A_29 = vector.broadcast %jit3A : f32 to vector<4096x64xf32>
    %broadcast_in_dim3A_30 = vector.broadcast %jit3A_28 : f32 to vector<4096x64xf32>
    %select_n3A = arith.select %eq3A_27, %broadcast_in_dim3A_29, %broadcast_in_dim3A_30 : vector<4096x64xi1>, vector<4096x64xf32>
    %dot_general3A_31 = arith.constant dense<0.000000e+00> : vector<64x300xf32>
    %dot_general3A_32 = tpu.matmul %select_n3A, %get3A_23, %dot_general3A_31 {dimension_numbers = #tpu.dot_dimension_numbers<[0], [0], [1], [1], [0, 1, 1, 1], [], []>, transpose_lhs_hint = false} : vector<4096x64xf32>, vector<4096x300xf32>, vector<64x300xf32> -> vector<64x300xf32>
    %dot_general3A_33 = arith.constant dense<0.000000e+00> : vector<64x300xf32>
    %dot_general3A_34 = tpu.matmul %dot_general3A_32, %get3A_26, %dot_general3A_33 {dimension_numbers = #tpu.dot_dimension_numbers<[1], [0], [0], [1], [0, 0, 1, 1], [], []>, transpose_lhs_hint = false} : vector<64x300xf32>, vector<300x300xf32>, vector<64x300xf32> -> vector<64x300xf32>
    %swap3A_35 = arith.constant 0 : index
    %swap3A_36 = arith.constant 0 : index
    %swap3A_37 = vector.load %arg20[%swap3A_35, %swap3A_36] : memref<64x300xf32, #tpu.memory_space<vmem>>, vector<64x300xf32>
    tpu.vector_store %arg20[%swap3A_35, %swap3A_36], %dot_general3A_34 {strides = array<i32>} : memref<64x300xf32, #tpu.memory_space<vmem>>, vector<64x300xf32>,
    %get3A_38 = arith.constant 0 : index
    %get3A_39 = vector.load %arg3[%get3A_38] : memref<4096xi32, #tpu.memory_space<vmem>>, vector<4096xi32>
    %get3A_40 = arith.constant 0 : index
    %get3A_41 = arith.constant 0 : index
    %get3A_42 = vector.load %arg9[%get3A_40, %get3A_41] : memref<4096x300xf32, #tpu.memory_space<vmem>>, vector<4096x300xf32>
    %get3A_43 = arith.constant 0 : index
    %get3A_44 = arith.constant 0 : index
    %get3A_45 = vector.load %arg15[%get3A_43, %get3A_44] : memref<300x300xf32, #tpu.memory_space<vmem>>, vector<300x300xf32>
    %broadcast_in_dim3A_46 = vector.shape_cast %get3A_39 : vector<4096xi32> to vector<4096x1xi32>
    %iota3A_47 = tpu.iota {dimensions = array<i32: 1>} : vector<4096x64xi32>
    %eq3A_48 = vector.broadcast %broadcast_in_dim3A_46 : vector<4096x1xi32> to vector<4096x64xi32>
    %eq3A_49 = arith.cmpi eq, %eq3A_48, %iota3A_47 : vector<4096x64xi32>
    %jit3A_50 = arith.constant 1.000000e+00 : f32
    %jit3A_51 = arith.constant 0.000000e+00 : f32
    %broadcast_in_dim3A_52 = vector.broadcast %jit3A_50 : f32 to vector<4096x64xf32>
    %broadcast_in_dim3A_53 = vector.broadcast %jit3A_51 : f32 to vector<4096x64xf32>
    %select_n3A_54 = arith.select %eq3A_49, %broadcast_in_dim3A_52, %broadcast_in_dim3A_53 : vector<4096x64xi1>, vector<4096x64xf32>
    %dot_general3A_55 = arith.constant dense<0.000000e+00> : vector<64x300xf32>
    %dot_general3A_56 = tpu.matmul %select_n3A_54, %get3A_42, %dot_general3A_55 {dimension_numbers = #tpu.dot_dimension_numbers<[0], [0], [1], [1], [0, 1, 1, 1], [], []>, transpose_lhs_hint = false} : vector<4096x64xf32>, vector<4096x300xf32>, vector<64x300xf32> -> vector<64x300xf32>
    %dot_general3A_57 = arith.constant dense<0.000000e+00> : vector<64x300xf32>
    %dot_general3A_58 = tpu.matmul %dot_general3A_56, %get3A_45, %dot_general3A_57 {dimension_numbers = #tpu.dot_dimension_numbers<[1], [0], [0], [1], [0, 0, 1, 1], [], []>, transpose_lhs_hint = false} : vector<64x300xf32>, vector<300x300xf32>, vector<64x300xf32> -> vector<64x300xf32>
    %swap3A_59 = arith.constant 0 : index
    %swap3A_60 = arith.constant 0 : index
    %swap3A_61 = vector.load %arg21[%swap3A_59, %swap3A_60] : memref<64x300xf32, #tpu.memory_space<vmem>>, vector<64x300xf32>
    tpu.vector_store %arg21[%swap3A_59, %swap3A_60], %dot_general3A_58 {strides = array<i32>} : memref<64x300xf32, #tpu.memory_space<vmem>>, vector<64x300xf32>,
    %get3A_62 = arith.constant 0 : index
    %get3A_63 = vector.load %arg4[%get3A_62] : memref<4096xi32, #tpu.memory_space<vmem>>, vector<4096xi32>
    %get3A_64 = arith.constant 0 : index
    %get3A_65 = arith.constant 0 : index
    %get3A_66 = vector.load %arg10[%get3A_64, %get3A_65] : memref<4096x300xf32, #tpu.memory_space<vmem>>, vector<4096x300xf32>
    %get3A_67 = arith.constant 0 : index
    %get3A_68 = arith.constant 0 : index
    %get3A_69 = vector.load %arg16[%get3A_67, %get3A_68] : memref<300x300xf32, #tpu.memory_space<vmem>>, vector<300x300xf32>
    %broadcast_in_dim3A_70 = vector.shape_cast %get3A_63 : vector<4096xi32> to vector<4096x1xi32>
    %iota3A_71 = tpu.iota {dimensions = array<i32: 1>} : vector<4096x64xi32>
    %eq3A_72 = vector.broadcast %broadcast_in_dim3A_70 : vector<4096x1xi32> to vector<4096x64xi32>
    %eq3A_73 = arith.cmpi eq, %eq3A_72, %iota3A_71 : vector<4096x64xi32>
    %jit3A_74 = arith.constant 1.000000e+00 : f32
    %jit3A_75 = arith.constant 0.000000e+00 : f32
    %broadcast_in_dim3A_76 = vector.broadcast %jit3A_74 : f32 to vector<4096x64xf32>
    %broadcast_in_dim3A_77 = vector.broadcast %jit3A_75 : f32 to vector<4096x64xf32>
    %select_n3A_78 = arith.select %eq3A_73, %broadcast_in_dim3A_76, %broadcast_in_dim3A_77 : vector<4096x64xi1>, vector<4096x64xf32>
    %dot_general3A_79 = arith.constant dense<0.000000e+00> : vector<64x300xf32>
    %dot_general3A_80 = tpu.matmul %select_n3A_78, %get3A_66, %dot_general3A_79 {dimension_numbers = #tpu.dot_dimension_numbers<[0], [0], [1], [1], [0, 1, 1, 1], [], []>, transpose_lhs_hint = false} : vector<4096x64xf32>, vector<4096x300xf32>, vector<64x300xf32> -> vector<64x300xf32>
    %dot_general3A_81 = arith.constant dense<0.000000e+00> : vector<64x300xf32>
    %dot_general3A_82 = tpu.matmul %dot_general3A_80, %get3A_69, %dot_general3A_81 {dimension_numbers = #tpu.dot_dimension_numbers<[1], [0], [0], [1], [0, 0, 1, 1], [], []>, transpose_lhs_hint = false} : vector<64x300xf32>, vector<300x300xf32>, vector<64x300xf32> -> vector<64x300xf32>
    %swap3A_83 = arith.constant 0 : index
    %swap3A_84 = arith.constant 0 : index
    %swap3A_85 = vector.load %arg22[%swap3A_83, %swap3A_84] : memref<64x300xf32, #tpu.memory_space<vmem>>, vector<64x300xf32>
    tpu.vector_store %arg22[%swap3A_83, %swap3A_84], %dot_general3A_82 {strides = array<i32>} : memref<64x300xf32, #tpu.memory_space<vmem>>, vector<64x300xf32>,
    %get3A_86 = arith.constant 0 : index
    %get3A_87 = vector.load %arg5[%get3A_86] : memref<4096xi32, #tpu.memory_space<vmem>>, vector<4096xi32>
    %get3A_88 = arith.constant 0 : index
    %get3A_89 = arith.constant 0 : index
    %get3A_90 = vector.load %arg11[%get3A_88, %get3A_89] : memref<4096x300xf32, #tpu.memory_space<vmem>>, vector<4096x300xf32>
    %get3A_91 = arith.constant 0 : index
    %get3A_92 = arith.constant 0 : index
    %get3A_93 = vector.load %arg17[%get3A_91, %get3A_92] : memref<300x300xf32, #tpu.memory_space<vmem>>, vector<300x300xf32>
    %broadcast_in_dim3A_94 = vector.shape_cast %get3A_87 : vector<4096xi32> to vector<4096x1xi32>
    %iota3A_95 = tpu.iota {dimensions = array<i32: 1>} : vector<4096x64xi32>
    %eq3A_96 = vector.broadcast %broadcast_in_dim3A_94 : vector<4096x1xi32> to vector<4096x64xi32>
    %eq3A_97 = arith.cmpi eq, %eq3A_96, %iota3A_95 : vector<4096x64xi32>
    %jit3A_98 = arith.constant 1.000000e+00 : f32
    %jit3A_99 = arith.constant 0.000000e+00 : f32
    %broadcast_in_dim3A_100 = vector.broadcast %jit3A_98 : f32 to vector<4096x64xf32>
    %broadcast_in_dim3A_101 = vector.broadcast %jit3A_99 : f32 to vector<4096x64xf32>
    %select_n3A_102 = arith.select %eq3A_97, %broadcast_in_dim3A_100, %broadcast_in_dim3A_101 : vector<4096x64xi1>, vector<4096x64xf32>
    %dot_general3A_103 = arith.constant dense<0.000000e+00> : vector<64x300xf32>
    %dot_general3A_104 = tpu.matmul %select_n3A_102, %get3A_90, %dot_general3A_103 {dimension_numbers = #tpu.dot_dimension_numbers<[0], [0], [1], [1], [0, 1, 1, 1], [], []>, transpose_lhs_hint = false} : vector<4096x64xf32>, vector<4096x300xf32>, vector<64x300xf32> -> vector<64x300xf32>
    %dot_general3A_105 = arith.constant dense<0.000000e+00> : vector<64x300xf32>
    %dot_general3A_106 = tpu.matmul %dot_general3A_104, %get3A_93, %dot_general3A_105 {dimension_numbers = #tpu.dot_dimension_numbers<[1], [0], [0], [1], [0, 0, 1, 1], [], []>, transpose_lhs_hint = false} : vector<64x300xf32>, vector<300x300xf32>, vector<64x300xf32> -> vector<64x300xf32>
    %swap3A_107 = arith.constant 0 : index
    %swap3A_108 = arith.constant 0 : index
    %swap3A_109 = vector.load %arg23[%swap3A_107, %swap3A_108] : memref<64x300xf32, #tpu.memory_space<vmem>>, vector<64x300xf32>
    tpu.vector_store %arg23[%swap3A_107, %swap3A_108], %dot_general3A_106 {strides = array<i32>} : memref<64x300xf32, #tpu.memory_space<vmem>>, vector<64x300xf32>,
    %get3A_110 = arith.constant 0 : index
    %get3A_111 = vector.load %arg4[%get3A_110] : memref<4096xi32, #tpu.memory_space<vmem>>, vector<4096xi32>
    %get3A_112 = arith.constant 0 : index
    %get3A_113 = vector.load %arg6[%get3A_112] : memref<4096xi32, #tpu.memory_space<vmem>>, vector<4096xi32>
    %broadcast_in_dim3A_114 = vector.shape_cast %get3A_111 : vector<4096xi32> to vector<4096x1xi32>
    %iota3A_115 = tpu.iota {dimensions = array<i32: 1>} : vector<4096x64xi32>
    %eq3A_116 = vector.broadcast %broadcast_in_dim3A_114 : vector<4096x1xi32> to vector<4096x64xi32>
    %eq3A_117 = arith.cmpi eq, %eq3A_116, %iota3A_115 : vector<4096x64xi32>
    %jit3A_118 = arith.constant 1.000000e+00 : f32
    %jit3A_119 = arith.constant 0.000000e+00 : f32
    %broadcast_in_dim3A_120 = vector.broadcast %jit3A_118 : f32 to vector<4096x64xf32>
    %broadcast_in_dim3A_121 = vector.broadcast %jit3A_119 : f32 to vector<4096x64xf32>
    %select_n3A_122 = arith.select %eq3A_117, %broadcast_in_dim3A_120, %broadcast_in_dim3A_121 : vector<4096x64xi1>, vector<4096x64xf32>
    %broadcast_in_dim3A_123 = vector.shape_cast %get3A_113 : vector<4096xi32> to vector<4096x1xi32>
    %iota3A_124 = tpu.iota {dimensions = array<i32: 1>} : vector<4096x128xi32>
    %eq3A_125 = vector.broadcast %broadcast_in_dim3A_123 : vector<4096x1xi32> to vector<4096x128xi32>
    %eq3A_126 = arith.cmpi eq, %eq3A_125, %iota3A_124 : vector<4096x128xi32>
    %jit3A_127 = arith.constant 1.000000e+00 : f32
    %jit3A_128 = arith.constant 0.000000e+00 : f32
    %broadcast_in_dim3A_129 = vector.broadcast %jit3A_127 : f32 to vector<4096x128xf32>
    %broadcast_in_dim3A_130 = vector.broadcast %jit3A_128 : f32 to vector<4096x128xf32>
    %select_n3A_131 = arith.select %eq3A_126, %broadcast_in_dim3A_129, %broadcast_in_dim3A_130 : vector<4096x128xi1>, vector<4096x128xf32>
    %dot_general3A_132 = arith.constant dense<0.000000e+00> : vector<64x128xf32>
    %dot_general3A_133 = tpu.matmul %select_n3A_122, %select_n3A_131, %dot_general3A_132 {dimension_numbers = #tpu.dot_dimension_numbers<[0], [0], [1], [1], [0, 1, 1, 1], [], []>, transpose_lhs_hint = false} : vector<4096x64xf32>, vector<4096x128xf32>, vector<64x128xf32> -> vector<64x128xf32>
    %swap3A_134 = arith.constant 0 : index
    %swap3A_135 = arith.constant 0 : index
    %swap3A_136 = vector.load %arg24[%swap3A_134, %swap3A_135] : memref<64x128xf32, #tpu.memory_space<vmem>>, vector<64x128xf32>
    tpu.vector_store %arg24[%swap3A_134, %swap3A_135], %dot_general3A_133 {strides = array<i32>} : memref<64x128xf32, #tpu.memory_space<vmem>>, vector<64x128xf32>,
    %get3A_137 = arith.constant 0 : index
    %get3A_138 = vector.load %arg5[%get3A_137] : memref<4096xi32, #tpu.memory_space<vmem>>, vector<4096xi32>
    %get3A_139 = arith.constant 0 : index
    %get3A_140 = vector.load %arg7[%get3A_139] : memref<4096xi32, #tpu.memory_space<vmem>>, vector<4096xi32>
    %broadcast_in_dim3A_141 = vector.shape_cast %get3A_138 : vector<4096xi32> to vector<4096x1xi32>
    %iota3A_142 = tpu.iota {dimensions = array<i32: 1>} : vector<4096x64xi32>
    %eq3A_143 = vector.broadcast %broadcast_in_dim3A_141 : vector<4096x1xi32> to vector<4096x64xi32>
    %eq3A_144 = arith.cmpi eq, %eq3A_143, %iota3A_142 : vector<4096x64xi32>
    %jit3A_145 = arith.constant 1.000000e+00 : f32
    %jit3A_146 = arith.constant 0.000000e+00 : f32
    %broadcast_in_dim3A_147 = vector.broadcast %jit3A_145 : f32 to vector<4096x64xf32>
    %broadcast_in_dim3A_148 = vector.broadcast %jit3A_146 : f32 to vector<4096x64xf32>
    %select_n3A_149 = arith.select %eq3A_144, %broadcast_in_dim3A_147, %broadcast_in_dim3A_148 : vector<4096x64xi1>, vector<4096x64xf32>
    %broadcast_in_dim3A_150 = vector.shape_cast %get3A_140 : vector<4096xi32> to vector<4096x1xi32>
    %iota3A_151 = tpu.iota {dimensions = array<i32: 1>} : vector<4096x128xi32>
    %eq3A_152 = vector.broadcast %broadcast_in_dim3A_150 : vector<4096x1xi32> to vector<4096x128xi32>
    %eq3A_153 = arith.cmpi eq, %eq3A_152, %iota3A_151 : vector<4096x128xi32>
    %jit3A_154 = arith.constant 1.000000e+00 : f32
    %jit3A_155 = arith.constant 0.000000e+00 : f32
    %broadcast_in_dim3A_156 = vector.broadcast %jit3A_154 : f32 to vector<4096x128xf32>
    %broadcast_in_dim3A_157 = vector.broadcast %jit3A_155 : f32 to vector<4096x128xf32>
    %select_n3A_158 = arith.select %eq3A_153, %broadcast_in_dim3A_156, %broadcast_in_dim3A_157 : vector<4096x128xi1>, vector<4096x128xf32>
    %dot_general3A_159 = arith.constant dense<0.000000e+00> : vector<64x128xf32>
    %dot_general3A_160 = tpu.matmul %select_n3A_149, %select_n3A_158, %dot_general3A_159 {dimension_numbers = #tpu.dot_dimension_numbers<[0], [0], [1], [1], [0, 1, 1, 1], [], []>, transpose_lhs_hint = false} : vector<4096x64xf32>, vector<4096x128xf32>, vector<64x128xf32> -> vector<64x128xf32>
    %swap3A_161 = arith.constant 0 : index
    %swap3A_162 = arith.constant 0 : index
    %swap3A_163 = vector.load %arg25[%swap3A_161, %swap3A_162] : memref<64x128xf32, #tpu.memory_space<vmem>>, vector<64x128xf32>
    tpu.vector_store %arg25[%swap3A_161, %swap3A_162], %dot_general3A_160 {strides = array<i32>} : memref<64x128xf32, #tpu.memory_space<vmem>>, vector<64x128xf32>,
    return
  }
}

module attributes {stable_mosaic.version = 14 : i64} {
  func.func @_tcb_body(%arg0: memref<2x128x128xf32, #tpu.memory_space<vmem>>, %arg1: memref<2x128x128xf32, #tpu.memory_space<vmem>>, %arg2: memref<64x128xf32, #tpu.memory_space<vmem>>, %arg3: memref<64x128xf32, #tpu.memory_space<vmem>>, %arg4: memref<64x300xf32, #tpu.memory_space<vmem>>, %arg5: memref<64x300xf32, #tpu.memory_space<vmem>>, %arg6: memref<64x300xf32, #tpu.memory_space<vmem>>, %arg7: memref<64x300xf32, #tpu.memory_space<vmem>>, %arg8: memref<64x300xf32, #tpu.memory_space<vmem>>, %arg9: memref<64x300xf32, #tpu.memory_space<vmem>>, %arg10: memref<300xf32, #tpu.memory_space<vmem>>, %arg11: memref<300xf32, #tpu.memory_space<vmem>>, %arg12: memref<300x600xf32, #tpu.memory_space<vmem>>, %arg13: memref<600xf32, #tpu.memory_space<vmem>>, %arg14: memref<300xf32, #tpu.memory_space<vmem>>, %arg15: memref<300xf32, #tpu.memory_space<vmem>>, %arg16: memref<300x600xf32, #tpu.memory_space<vmem>>, %arg17: memref<600xf32, #tpu.memory_space<vmem>>, %arg18: memref<600x300xf32, #tpu.memory_space<vmem>>, %arg19: memref<300xf32, #tpu.memory_space<vmem>>, %arg20: memref<300xf32, #tpu.memory_space<vmem>>, %arg21: memref<300x600xf32, #tpu.memory_space<vmem>>, %arg22: memref<600xf32, #tpu.memory_space<vmem>>, %arg23: memref<600x300xf32, #tpu.memory_space<vmem>>, %arg24: memref<300xf32, #tpu.memory_space<vmem>>, %arg25: memref<300xf32, #tpu.memory_space<vmem>>, %arg26: memref<300x600xf32, #tpu.memory_space<vmem>>, %arg27: memref<600xf32, #tpu.memory_space<vmem>>, %arg28: memref<64x600xf32, #tpu.memory_space<vmem>>, %arg29: memref<64x600xf32, #tpu.memory_space<vmem>>) attributes {dimension_semantics = [], scalar_prefetch = 0 : i64, scratch_operands = 0 : i64, tpu.core_type = #tpu.core_type<tc>} {
    %get3A = arith.constant 0 : index
    %get3A_0 = arith.constant 0 : index
    %get3A_1 = arith.constant 0 : index
    %get3A_2 = vector.load %arg0[%get3A, %get3A_0, %get3A_1] : memref<2x128x128xf32, #tpu.memory_space<vmem>>, vector<2x128x128xf32>
    %reduce_sum3A = arith.constant dense<0.000000e+00> : vector<128x128xf32>
    %reduce_sum3A_3 = vector.multi_reduction <add>, %get3A_2, %reduce_sum3A [0] : vector<2x128x128xf32> to vector<128x128xf32>
    %slice3A = vector.extract_strided_slice %reduce_sum3A_3 {offsets = [0, 0], sizes = [64, 64], strides = [1, 1]} : vector<128x128xf32> to vector<64x64xf32>
    %get3A_4 = arith.constant 0 : index
    %get3A_5 = arith.constant 0 : index
    %get3A_6 = vector.load %arg4[%get3A_4, %get3A_5] : memref<64x300xf32, #tpu.memory_space<vmem>>, vector<64x300xf32>
    %get3A_7 = arith.constant 0 : index
    %get3A_8 = arith.constant 0 : index
    %get3A_9 = vector.load %arg6[%get3A_7, %get3A_8] : memref<64x300xf32, #tpu.memory_space<vmem>>, vector<64x300xf32>
    %get3A_10 = arith.constant 0 : index
    %get3A_11 = vector.load %arg10[%get3A_10] : memref<300xf32, #tpu.memory_space<vmem>>, vector<300xf32>
    %get3A_12 = arith.constant 0 : index
    %get3A_13 = vector.load %arg11[%get3A_12] : memref<300xf32, #tpu.memory_space<vmem>>, vector<300xf32>
    %get3A_14 = arith.constant 0 : index
    %get3A_15 = arith.constant 0 : index
    %get3A_16 = vector.load %arg12[%get3A_14, %get3A_15] : memref<300x600xf32, #tpu.memory_space<vmem>>, vector<300x600xf32>
    %get3A_17 = arith.constant 0 : index
    %get3A_18 = vector.load %arg13[%get3A_17] : memref<600xf32, #tpu.memory_space<vmem>>, vector<600xf32>
    %reduce_sum3A_19 = arith.constant dense<0.000000e+00> : vector<64xf32>
    %reduce_sum3A_20 = vector.multi_reduction <add>, %slice3A, %reduce_sum3A_19 [1] : vector<64x64xf32> to vector<64xf32>
    %iota3A = tpu.iota {dimensions = array<i32: 0>} : vector<64x64xi32>
    %iota3A_21 = tpu.iota {dimensions = array<i32: 1>} : vector<64x64xi32>
    %eq3A = arith.cmpi eq, %iota3A, %iota3A_21 : vector<64x64xi32>
    %jit3A = arith.constant 1.000000e+00 : f32
    %jit3A_22 = arith.constant 0.000000e+00 : f32
    %broadcast_in_dim3A = vector.broadcast %jit3A : f32 to vector<64x64xf32>
    %broadcast_in_dim3A_23 = vector.broadcast %jit3A_22 : f32 to vector<64x64xf32>
    %select_n3A = arith.select %eq3A, %broadcast_in_dim3A, %broadcast_in_dim3A_23 : vector<64x64xi1>, vector<64x64xf32>
    %broadcast_in_dim3A_24 = vector.shape_cast %reduce_sum3A_20 : vector<64xf32> to vector<64x1xf32>
    %mul3A = vector.broadcast %broadcast_in_dim3A_24 : vector<64x1xf32> to vector<64x64xf32>
    %mul3A_25 = arith.mulf %mul3A, %select_n3A : vector<64x64xf32>
    %add3A = arith.addf %slice3A, %mul3A_25 : vector<64x64xf32>
    %dot_general3A = arith.constant dense<0.000000e+00> : vector<64x300xf32>
    %dot_general3A_26 = tpu.matmul %add3A, %get3A_6, %dot_general3A {dimension_numbers = #tpu.dot_dimension_numbers<[1], [0], [0], [1], [0, 0, 1, 1], [], []>, transpose_lhs_hint = false} : vector<64x64xf32>, vector<64x300xf32>, vector<64x300xf32> -> vector<64x300xf32>
    %add3A_27 = arith.addf %dot_general3A_26, %get3A_9 : vector<64x300xf32>
    %broadcast_in_dim3A_28 = vector.shape_cast %reduce_sum3A_20 : vector<64xf32> to vector<64x1xf32>
    %mul3A_29 = arith.constant 2.000000e+00 : f32
    %mul3A_30 = vector.broadcast %mul3A_29 : f32 to vector<300xf32>
    %mul3A_31 = arith.mulf %mul3A_30, %get3A_11 : vector<300xf32>
    %add3A_32 = arith.addf %mul3A_31, %get3A_13 : vector<300xf32>
    %broadcast_in_dim3A_33 = vector.shape_cast %add3A_32 : vector<300xf32> to vector<1x300xf32>
    %mul3A_34 = vector.broadcast %broadcast_in_dim3A_28 : vector<64x1xf32> to vector<64x300xf32>
    %mul3A_35 = vector.broadcast %broadcast_in_dim3A_33 : vector<1x300xf32> to vector<64x300xf32>
    %mul3A_36 = arith.mulf %mul3A_34, %mul3A_35 : vector<64x300xf32>
    %add3A_37 = arith.addf %add3A_27, %mul3A_36 : vector<64x300xf32>
    %dot_general3A_38 = arith.constant dense<0.000000e+00> : vector<64x600xf32>
    %dot_general3A_39 = tpu.matmul %add3A_37, %get3A_16, %dot_general3A_38 {dimension_numbers = #tpu.dot_dimension_numbers<[1], [0], [0], [1], [0, 0, 1, 1], [], []>, transpose_lhs_hint = false} : vector<64x300xf32>, vector<300x600xf32>, vector<64x600xf32> -> vector<64x600xf32>
    %broadcast_in_dim3A_40 = vector.shape_cast %get3A_18 : vector<600xf32> to vector<1x600xf32>
    %add3A_41 = vector.broadcast %broadcast_in_dim3A_40 : vector<1x600xf32> to vector<64x600xf32>
    %add3A_42 = arith.addf %dot_general3A_39, %add3A_41 : vector<64x600xf32>
    %get3A_43 = arith.constant 0 : index
    %get3A_44 = arith.constant 0 : index
    %get3A_45 = arith.constant 0 : index
    %get3A_46 = vector.load %arg1[%get3A_43, %get3A_44, %get3A_45] : memref<2x128x128xf32, #tpu.memory_space<vmem>>, vector<2x128x128xf32>
    %reduce_sum3A_47 = arith.constant dense<0.000000e+00> : vector<128x128xf32>
    %reduce_sum3A_48 = vector.multi_reduction <add>, %get3A_46, %reduce_sum3A_47 [0] : vector<2x128x128xf32> to vector<128x128xf32>
    %slice3A_49 = vector.extract_strided_slice %reduce_sum3A_48 {offsets = [0, 0], sizes = [64, 64], strides = [1, 1]} : vector<128x128xf32> to vector<64x64xf32>
    %get3A_50 = arith.constant 0 : index
    %get3A_51 = arith.constant 0 : index
    %get3A_52 = vector.load %arg5[%get3A_50, %get3A_51] : memref<64x300xf32, #tpu.memory_space<vmem>>, vector<64x300xf32>
    %get3A_53 = arith.constant 0 : index
    %get3A_54 = arith.constant 0 : index
    %get3A_55 = vector.load %arg7[%get3A_53, %get3A_54] : memref<64x300xf32, #tpu.memory_space<vmem>>, vector<64x300xf32>
    %get3A_56 = arith.constant 0 : index
    %get3A_57 = vector.load %arg14[%get3A_56] : memref<300xf32, #tpu.memory_space<vmem>>, vector<300xf32>
    %get3A_58 = arith.constant 0 : index
    %get3A_59 = vector.load %arg15[%get3A_58] : memref<300xf32, #tpu.memory_space<vmem>>, vector<300xf32>
    %get3A_60 = arith.constant 0 : index
    %get3A_61 = arith.constant 0 : index
    %get3A_62 = vector.load %arg16[%get3A_60, %get3A_61] : memref<300x600xf32, #tpu.memory_space<vmem>>, vector<300x600xf32>
    %get3A_63 = arith.constant 0 : index
    %get3A_64 = vector.load %arg17[%get3A_63] : memref<600xf32, #tpu.memory_space<vmem>>, vector<600xf32>
    %reduce_sum3A_65 = arith.constant dense<0.000000e+00> : vector<64xf32>
    %reduce_sum3A_66 = vector.multi_reduction <add>, %slice3A_49, %reduce_sum3A_65 [1] : vector<64x64xf32> to vector<64xf32>
    %iota3A_67 = tpu.iota {dimensions = array<i32: 0>} : vector<64x64xi32>
    %iota3A_68 = tpu.iota {dimensions = array<i32: 1>} : vector<64x64xi32>
    %eq3A_69 = arith.cmpi eq, %iota3A_67, %iota3A_68 : vector<64x64xi32>
    %jit3A_70 = arith.constant 1.000000e+00 : f32
    %jit3A_71 = arith.constant 0.000000e+00 : f32
    %broadcast_in_dim3A_72 = vector.broadcast %jit3A_70 : f32 to vector<64x64xf32>
    %broadcast_in_dim3A_73 = vector.broadcast %jit3A_71 : f32 to vector<64x64xf32>
    %select_n3A_74 = arith.select %eq3A_69, %broadcast_in_dim3A_72, %broadcast_in_dim3A_73 : vector<64x64xi1>, vector<64x64xf32>
    %broadcast_in_dim3A_75 = vector.shape_cast %reduce_sum3A_66 : vector<64xf32> to vector<64x1xf32>
    %mul3A_76 = vector.broadcast %broadcast_in_dim3A_75 : vector<64x1xf32> to vector<64x64xf32>
    %mul3A_77 = arith.mulf %mul3A_76, %select_n3A_74 : vector<64x64xf32>
    %add3A_78 = arith.addf %slice3A_49, %mul3A_77 : vector<64x64xf32>
    %dot_general3A_79 = arith.constant dense<0.000000e+00> : vector<64x300xf32>
    %dot_general3A_80 = tpu.matmul %add3A_78, %get3A_52, %dot_general3A_79 {dimension_numbers = #tpu.dot_dimension_numbers<[1], [0], [0], [1], [0, 0, 1, 1], [], []>, transpose_lhs_hint = false} : vector<64x64xf32>, vector<64x300xf32>, vector<64x300xf32> -> vector<64x300xf32>
    %add3A_81 = arith.addf %dot_general3A_80, %get3A_55 : vector<64x300xf32>
    %broadcast_in_dim3A_82 = vector.shape_cast %reduce_sum3A_66 : vector<64xf32> to vector<64x1xf32>
    %mul3A_83 = arith.constant 2.000000e+00 : f32
    %mul3A_84 = vector.broadcast %mul3A_83 : f32 to vector<300xf32>
    %mul3A_85 = arith.mulf %mul3A_84, %get3A_57 : vector<300xf32>
    %add3A_86 = arith.addf %mul3A_85, %get3A_59 : vector<300xf32>
    %broadcast_in_dim3A_87 = vector.shape_cast %add3A_86 : vector<300xf32> to vector<1x300xf32>
    %mul3A_88 = vector.broadcast %broadcast_in_dim3A_82 : vector<64x1xf32> to vector<64x300xf32>
    %mul3A_89 = vector.broadcast %broadcast_in_dim3A_87 : vector<1x300xf32> to vector<64x300xf32>
    %mul3A_90 = arith.mulf %mul3A_88, %mul3A_89 : vector<64x300xf32>
    %add3A_91 = arith.addf %add3A_81, %mul3A_90 : vector<64x300xf32>
    %dot_general3A_92 = arith.constant dense<0.000000e+00> : vector<64x600xf32>
    %dot_general3A_93 = tpu.matmul %add3A_91, %get3A_62, %dot_general3A_92 {dimension_numbers = #tpu.dot_dimension_numbers<[1], [0], [0], [1], [0, 0, 1, 1], [], []>, transpose_lhs_hint = false} : vector<64x300xf32>, vector<300x600xf32>, vector<64x600xf32> -> vector<64x600xf32>
    %broadcast_in_dim3A_94 = vector.shape_cast %get3A_64 : vector<600xf32> to vector<1x600xf32>
    %add3A_95 = vector.broadcast %broadcast_in_dim3A_94 : vector<1x600xf32> to vector<64x600xf32>
    %add3A_96 = arith.addf %dot_general3A_93, %add3A_95 : vector<64x600xf32>
    %concatenate3A = tpu.concatenate %add3A_42, %add3A_96 in 0 : vector<64x600xf32>, vector<64x600xf32> -> vector<128x600xf32>
    %get3A_97 = arith.constant 0 : index
    %get3A_98 = arith.constant 0 : index
    %get3A_99 = vector.load %arg18[%get3A_97, %get3A_98] : memref<600x300xf32, #tpu.memory_space<vmem>>, vector<600x300xf32>
    %dot_general3A_100 = arith.constant dense<0.000000e+00> : vector<128x300xf32>
    %dot_general3A_101 = tpu.matmul %concatenate3A, %get3A_99, %dot_general3A_100 {dimension_numbers = #tpu.dot_dimension_numbers<[1], [0], [0], [1], [0, 0, 1, 1], [], []>, transpose_lhs_hint = false} : vector<128x600xf32>, vector<600x300xf32>, vector<128x300xf32> -> vector<128x300xf32>
    %concatenate3A_102 = tpu.concatenate %add3A_96, %add3A_42 in 0 : vector<64x600xf32>, vector<64x600xf32> -> vector<128x600xf32>
    %get3A_103 = arith.constant 0 : index
    %get3A_104 = arith.constant 0 : index
    %get3A_105 = vector.load %arg23[%get3A_103, %get3A_104] : memref<600x300xf32, #tpu.memory_space<vmem>>, vector<600x300xf32>
    %dot_general3A_106 = arith.constant dense<0.000000e+00> : vector<128x300xf32>
    %dot_general3A_107 = tpu.matmul %concatenate3A_102, %get3A_105, %dot_general3A_106 {dimension_numbers = #tpu.dot_dimension_numbers<[1], [0], [0], [1], [0, 0, 1, 1], [], []>, transpose_lhs_hint = false} : vector<128x600xf32>, vector<600x300xf32>, vector<128x300xf32> -> vector<128x300xf32>
    %get3A_108 = arith.constant 0 : index
    %get3A_109 = arith.constant 0 : index
    %get3A_110 = vector.load %arg2[%get3A_108, %get3A_109] : memref<64x128xf32, #tpu.memory_space<vmem>>, vector<64x128xf32>
    %get3A_111 = arith.constant 0 : index
    %get3A_112 = arith.constant 0 : index
    %get3A_113 = vector.load %arg8[%get3A_111, %get3A_112] : memref<64x300xf32, #tpu.memory_space<vmem>>, vector<64x300xf32>
    %get3A_114 = arith.constant 0 : index
    %get3A_115 = vector.load %arg19[%get3A_114] : memref<300xf32, #tpu.memory_space<vmem>>, vector<300xf32>
    %get3A_116 = arith.constant 0 : index
    %get3A_117 = vector.load %arg20[%get3A_116] : memref<300xf32, #tpu.memory_space<vmem>>, vector<300xf32>
    %get3A_118 = arith.constant 0 : index
    %get3A_119 = arith.constant 0 : index
    %get3A_120 = vector.load %arg21[%get3A_118, %get3A_119] : memref<300x600xf32, #tpu.memory_space<vmem>>, vector<300x600xf32>
    %get3A_121 = arith.constant 0 : index
    %get3A_122 = vector.load %arg22[%get3A_121] : memref<600xf32, #tpu.memory_space<vmem>>, vector<600xf32>
    %reduce_sum3A_123 = arith.constant dense<0.000000e+00> : vector<64xf32>
    %reduce_sum3A_124 = vector.multi_reduction <add>, %get3A_110, %reduce_sum3A_123 [1] : vector<64x128xf32> to vector<64xf32>
    %iota3A_125 = tpu.iota {dimensions = array<i32: 0>} : vector<64x128xi32>
    %iota3A_126 = tpu.iota {dimensions = array<i32: 1>} : vector<64x128xi32>
    %eq3A_127 = arith.cmpi eq, %iota3A_125, %iota3A_126 : vector<64x128xi32>
    %jit3A_128 = arith.constant 1.000000e+00 : f32
    %jit3A_129 = arith.constant 0.000000e+00 : f32
    %broadcast_in_dim3A_130 = vector.broadcast %jit3A_128 : f32 to vector<64x128xf32>
    %broadcast_in_dim3A_131 = vector.broadcast %jit3A_129 : f32 to vector<64x128xf32>
    %select_n3A_132 = arith.select %eq3A_127, %broadcast_in_dim3A_130, %broadcast_in_dim3A_131 : vector<64x128xi1>, vector<64x128xf32>
    %broadcast_in_dim3A_133 = vector.shape_cast %reduce_sum3A_124 : vector<64xf32> to vector<64x1xf32>
    %mul3A_134 = vector.broadcast %broadcast_in_dim3A_133 : vector<64x1xf32> to vector<64x128xf32>
    %mul3A_135 = arith.mulf %mul3A_134, %select_n3A_132 : vector<64x128xf32>
    %add3A_136 = arith.addf %get3A_110, %mul3A_135 : vector<64x128xf32>
    %dot_general3A_137 = arith.constant dense<0.000000e+00> : vector<64x300xf32>
    %dot_general3A_138 = tpu.matmul %add3A_136, %dot_general3A_101, %dot_general3A_137 {dimension_numbers = #tpu.dot_dimension_numbers<[1], [0], [0], [1], [0, 0, 1, 1], [], []>, transpose_lhs_hint = false} : vector<64x128xf32>, vector<128x300xf32>, vector<64x300xf32> -> vector<64x300xf32>
    %add3A_139 = arith.addf %dot_general3A_138, %get3A_113 : vector<64x300xf32>
    %broadcast_in_dim3A_140 = vector.shape_cast %reduce_sum3A_124 : vector<64xf32> to vector<64x1xf32>
    %mul3A_141 = arith.constant 2.000000e+00 : f32
    %mul3A_142 = vector.broadcast %mul3A_141 : f32 to vector<300xf32>
    %mul3A_143 = arith.mulf %mul3A_142, %get3A_115 : vector<300xf32>
    %add3A_144 = arith.addf %mul3A_143, %get3A_117 : vector<300xf32>
    %broadcast_in_dim3A_145 = vector.shape_cast %add3A_144 : vector<300xf32> to vector<1x300xf32>
    %mul3A_146 = vector.broadcast %broadcast_in_dim3A_140 : vector<64x1xf32> to vector<64x300xf32>
    %mul3A_147 = vector.broadcast %broadcast_in_dim3A_145 : vector<1x300xf32> to vector<64x300xf32>
    %mul3A_148 = arith.mulf %mul3A_146, %mul3A_147 : vector<64x300xf32>
    %add3A_149 = arith.addf %add3A_139, %mul3A_148 : vector<64x300xf32>
    %dot_general3A_150 = arith.constant dense<0.000000e+00> : vector<64x600xf32>
    %dot_general3A_151 = tpu.matmul %add3A_149, %get3A_120, %dot_general3A_150 {dimension_numbers = #tpu.dot_dimension_numbers<[1], [0], [0], [1], [0, 0, 1, 1], [], []>, transpose_lhs_hint = false} : vector<64x300xf32>, vector<300x600xf32>, vector<64x600xf32> -> vector<64x600xf32>
    %broadcast_in_dim3A_152 = vector.shape_cast %get3A_122 : vector<600xf32> to vector<1x600xf32>
    %add3A_153 = vector.broadcast %broadcast_in_dim3A_152 : vector<1x600xf32> to vector<64x600xf32>
    %add3A_154 = arith.addf %dot_general3A_151, %add3A_153 : vector<64x600xf32>
    %swap3A = arith.constant 0 : index
    %swap3A_155 = arith.constant 0 : index
    %swap3A_156 = vector.load %arg28[%swap3A, %swap3A_155] : memref<64x600xf32, #tpu.memory_space<vmem>>, vector<64x600xf32>
    tpu.vector_store %arg28[%swap3A, %swap3A_155], %add3A_154 {strides = array<i32>} : memref<64x600xf32, #tpu.memory_space<vmem>>, vector<64x600xf32>,
    %get3A_157 = arith.constant 0 : index
    %get3A_158 = arith.constant 0 : index
    %get3A_159 = vector.load %arg3[%get3A_157, %get3A_158] : memref<64x128xf32, #tpu.memory_space<vmem>>, vector<64x128xf32>
    %get3A_160 = arith.constant 0 : index
    %get3A_161 = arith.constant 0 : index
    %get3A_162 = vector.load %arg9[%get3A_160, %get3A_161] : memref<64x300xf32, #tpu.memory_space<vmem>>, vector<64x300xf32>
    %get3A_163 = arith.constant 0 : index
    %get3A_164 = vector.load %arg24[%get3A_163] : memref<300xf32, #tpu.memory_space<vmem>>, vector<300xf32>
    %get3A_165 = arith.constant 0 : index
    %get3A_166 = vector.load %arg25[%get3A_165] : memref<300xf32, #tpu.memory_space<vmem>>, vector<300xf32>
    %get3A_167 = arith.constant 0 : index
    %get3A_168 = arith.constant 0 : index
    %get3A_169 = vector.load %arg26[%get3A_167, %get3A_168] : memref<300x600xf32, #tpu.memory_space<vmem>>, vector<300x600xf32>
    %get3A_170 = arith.constant 0 : index
    %get3A_171 = vector.load %arg27[%get3A_170] : memref<600xf32, #tpu.memory_space<vmem>>, vector<600xf32>
    %reduce_sum3A_172 = arith.constant dense<0.000000e+00> : vector<64xf32>
    %reduce_sum3A_173 = vector.multi_reduction <add>, %get3A_159, %reduce_sum3A_172 [1] : vector<64x128xf32> to vector<64xf32>
    %iota3A_174 = tpu.iota {dimensions = array<i32: 0>} : vector<64x128xi32>
    %iota3A_175 = tpu.iota {dimensions = array<i32: 1>} : vector<64x128xi32>
    %eq3A_176 = arith.cmpi eq, %iota3A_174, %iota3A_175 : vector<64x128xi32>
    %jit3A_177 = arith.constant 1.000000e+00 : f32
    %jit3A_178 = arith.constant 0.000000e+00 : f32
    %broadcast_in_dim3A_179 = vector.broadcast %jit3A_177 : f32 to vector<64x128xf32>
    %broadcast_in_dim3A_180 = vector.broadcast %jit3A_178 : f32 to vector<64x128xf32>
    %select_n3A_181 = arith.select %eq3A_176, %broadcast_in_dim3A_179, %broadcast_in_dim3A_180 : vector<64x128xi1>, vector<64x128xf32>
    %broadcast_in_dim3A_182 = vector.shape_cast %reduce_sum3A_173 : vector<64xf32> to vector<64x1xf32>
    %mul3A_183 = vector.broadcast %broadcast_in_dim3A_182 : vector<64x1xf32> to vector<64x128xf32>
    %mul3A_184 = arith.mulf %mul3A_183, %select_n3A_181 : vector<64x128xf32>
    %add3A_185 = arith.addf %get3A_159, %mul3A_184 : vector<64x128xf32>
    %dot_general3A_186 = arith.constant dense<0.000000e+00> : vector<64x300xf32>
    %dot_general3A_187 = tpu.matmul %add3A_185, %dot_general3A_107, %dot_general3A_186 {dimension_numbers = #tpu.dot_dimension_numbers<[1], [0], [0], [1], [0, 0, 1, 1], [], []>, transpose_lhs_hint = false} : vector<64x128xf32>, vector<128x300xf32>, vector<64x300xf32> -> vector<64x300xf32>
    %add3A_188 = arith.addf %dot_general3A_187, %get3A_162 : vector<64x300xf32>
    %broadcast_in_dim3A_189 = vector.shape_cast %reduce_sum3A_173 : vector<64xf32> to vector<64x1xf32>
    %mul3A_190 = arith.constant 2.000000e+00 : f32
    %mul3A_191 = vector.broadcast %mul3A_190 : f32 to vector<300xf32>
    %mul3A_192 = arith.mulf %mul3A_191, %get3A_164 : vector<300xf32>
    %add3A_193 = arith.addf %mul3A_192, %get3A_166 : vector<300xf32>
    %broadcast_in_dim3A_194 = vector.shape_cast %add3A_193 : vector<300xf32> to vector<1x300xf32>
    %mul3A_195 = vector.broadcast %broadcast_in_dim3A_189 : vector<64x1xf32> to vector<64x300xf32>
    %mul3A_196 = vector.broadcast %broadcast_in_dim3A_194 : vector<1x300xf32> to vector<64x300xf32>
    %mul3A_197 = arith.mulf %mul3A_195, %mul3A_196 : vector<64x300xf32>
    %add3A_198 = arith.addf %add3A_188, %mul3A_197 : vector<64x300xf32>
    %dot_general3A_199 = arith.constant dense<0.000000e+00> : vector<64x600xf32>
    %dot_general3A_200 = tpu.matmul %add3A_198, %get3A_169, %dot_general3A_199 {dimension_numbers = #tpu.dot_dimension_numbers<[1], [0], [0], [1], [0, 0, 1, 1], [], []>, transpose_lhs_hint = false} : vector<64x300xf32>, vector<300x600xf32>, vector<64x600xf32> -> vector<64x600xf32>
    %broadcast_in_dim3A_201 = vector.shape_cast %get3A_171 : vector<600xf32> to vector<1x600xf32>
    %add3A_202 = vector.broadcast %broadcast_in_dim3A_201 : vector<1x600xf32> to vector<64x600xf32>
    %add3A_203 = arith.addf %dot_general3A_200, %add3A_202 : vector<64x600xf32>
    %swap3A_204 = arith.constant 0 : index
    %swap3A_205 = arith.constant 0 : index
    %swap3A_206 = vector.load %arg29[%swap3A_204, %swap3A_205] : memref<64x600xf32, #tpu.memory_space<vmem>>, vector<64x600xf32>
    tpu.vector_store %arg29[%swap3A_204, %swap3A_205], %add3A_203 {strides = array<i32>} : memref<64x600xf32, #tpu.memory_space<vmem>>, vector<64x600xf32>,
    return
  }
}

</mosaic_0001>

<sc_bundles>
// kernel: kernel.5.cloned.1.call-start
scs
__scs_entry_jumppad:
0x0: {  	(pc) =	sbr.rel $0x88, $3  }
0x1: {  	(tag) =	ssettag $0x0;
	lr =	simm.s32 $0x1  }
0x2: {  	[smem:$0x3F7F] =	sst lr;
	_ =	strace $0xD0000000  }
0x3: {  	_ = 	snop  }
0x4: {  	_ = 	snop  }
0x5: {  	_ = 	snop  }
0x6: {  	_ = 	snop  }
0x7: {  	_ = 	snop  }
__scs_overlays_trampoline_lowered:
0x8: {  	[smem:$0x3F8E] =	sst s0  }
0x9: {  	[smem:$0x3F8F] =	sst s1  }
0xa: {  	[smem:$0x3F90] =	sst s2  }
0xb: {  	[smem:$0x3F91] =	sst s3  }
0xc: {  	[smem:$0x3F92] =	sst s4  }
0xd: {  	[smem:$0x3F93] =	sst s5  }
0xe: {  	[smem:$0x3F94] =	sst s6  }
0xf: {  	[smem:$0x3F95] =	sst s7  }
0x10: {  	[smem:$0x3F96] =	sst s8  }
0x11: {  	[smem:$0x3F97] =	sst s9;
	s0 =	simm.s32 @!p0 $0x0  }
0x12: {  	s1 =	sld [smem:$0x3F7D];
	s0 =	simm.s32 @p0 $0x1  }
0x13: {  	[smem:$0x3F98] =	sst s0;
	s0 =	simm.s32 @!p1 $0x0  }
0x14: {  	s2 =	sld [smem:$0x3F7C];
	s0 =	simm.s32 @p1 $0x1  }
0x15: {  	[smem:$0x3F99] =	sst s0;
	s0 =	simm.s32 @!p2 $0x0  }
0x16: {  	s3 =	sld [smem:$0x3FDB];
	s0 =	simm.s32 @p2 $0x1  }
0x17: {  	s4 =	simm.s32 $0x1BF5;
	[smem:$0x3F9B] =	sst s0  }
0x18: {  	s0 =	sld [smem:$0x3F7E];
	_ =	swait.ge [sflag:s4], $0x0  }
0x19: {  	s7 =	sld [smem:$0x3F7F]  }
0x1a: {  	s8 =	sadd.s32 $0xFFFFE003, lr  }
0x1b: {  	s9 =	sadd.s32 $0xFFFFFEF7, lr;
	s5 =	simm.s32 $0xFFFFFFFF;
	p2 =	slt.u32 s8, $0xFFFFF086  }
0x1c: {  	p1 =	slt.u32 s9, $0xF7A;
	s5 =	simm.s32 @!p2 $0x0  }
0x1d: {  	s5 =	simm.s32 @p1 $0x1;
	p0 =	seq.s32 s7, s2  }
0x1e: {  	s7 =	smul.u32 @!p0 $0xF7A, s2;
	p2 =	seq.s32 @!p0 s5, $0x0  }
0x1f: {  	s9 =	smul.u32 $0xF7A, s1;
	s8 =	simm.s32 @!p0 $0x1BF5;
	p2 =	por !p2, p0  }
0x20: {  	[sflag:s8] =	ssyncset.s32 @!p0 $0xFFFFF086;
	s6 =	sadd.s32 @!p0 s3, s7;
	s7 =	simm.s32 @!p0 $0x108  }
0x21: {  	s3 =	sadd.s32 s3, s9;
	s6 =	sadd.s32 @!p0 $0x88, s6;
	s7 =	simm.s32 @p2 $0x1082  }
0x22: {  	[simem:s7], [sflag:s8] =	dma.local @!p0 [hbm:s6], $0xF7A  }
0x23: {  	s9 =	sor.u32 $0xD0000000, s2;
	s6 =	simm.s32 $0x108;
	_ =	swait.ge @!p0 [sflag:s8], $0x0  }
0x24: {  	s3 =	sadd.s32 $0x88, s3;
	s6 =	simm.s32 @!p1 $0x1082;
	[sflag:s4] =	ssyncset.s32 $0xFFFFF086  }
0x25: {  	[simem:s6], [sflag:s4] =	dma.local [hbm:s3], $0xF7A  }
0x26: {  	[smem:$0x3F7F] =	sst s1;
	(tag) =	ssettag s2;
	_ =	strace s9  }
0x27: {  	s1 =	sld [smem:$0x3F8F]  }
0x28: {  	s2 =	sld [smem:$0x3F90]  }
0x29: {  	s4 =	sld [smem:$0x3F92]  }
0x2a: {  	p0 =	seq.s32 s5, $0x0;
	s5 =	sld [smem:$0x3F93]  }
0x2b: {  	s6 =	sld [smem:$0x3F94]  }
0x2c: {  	s7 =	sld [smem:$0x3F95]  }
0x2d: {  	s3 =	simm.s32 $0x108;
	s8 =	sld [smem:$0x3F96]  }
0x2e: {  	s3 =	simm.s32 @!p0 $0x1082;
	s9 =	sld [smem:$0x3F97]  }
0x2f: {  	lr =	sadd.s32 s0, s3;
	s0 =	sld [smem:$0x3F8E]  }
0x30: {  	s3 =	sld [smem:$0x3F91]  }
0x31: {  	[smem:$0x3F9A] =	sst s10  }
0x32: {  	s10 =	sld [smem:$0x3F98];
	_ =	sdelay $0x3  }
0x33: {  	p0 =	seq.s32 s10, $0x1;
	s10 =	sld [smem:$0x3F9A];
	_ =	sdelay $0x3  }
0x34: {  	[smem:$0x3F9A] =	sst s10  }
0x35: {  	s10 =	sld [smem:$0x3F99];
	_ =	sdelay $0x3  }
0x36: {  	p1 =	seq.s32 s10, $0x1;
	s10 =	sld [smem:$0x3F9A];
	_ =	sdelay $0x3  }
0x37: {  	[smem:$0x3F9A] =	sst s10  }
0x38: {  	s10 =	sld [smem:$0x3F9B]  }
0x39: {  	_ = 	snop;
	(pc) =	sbr.ind lr, $3  }
0x3a: {  	_ = 	snop  }
0x3b: {  	_ = 	snop  }
0x3c: {  	p2 =	seq.s32 s10, $0x1;
	s10 =	sld [smem:$0x3F9A]  }
0x3d: {  	_ =	shalt  }
0x3e: {  	_ =	shalt  }
0x3f: {  	_ =	shalt  }
0x40: {  	_ =	shalt  }
0x41: {  	_ =	shalt  }
0x42: {  	_ =	shalt  }
0x43: {  	_ =	shalt  }
0x44: {  	_ =	shalt  }
0x45: {  	_ =	shalt  }
0x46: {  	_ =	shalt  }
0x47: {  	_ =	shalt  }
0x48: {  	_ =	shalt  }
0x49: {  	_ =	shalt  }
0x4a: {  	_ =	shalt  }
0x4b: {  	_ =	shalt  }
0x4c: {  	_ =	shalt  }
0x4d: {  	_ =	shalt  }
0x4e: {  	_ =	shalt  }
0x4f: {  	_ =	shalt  }
0x50: {  	_ =	shalt  }
0x51: {  	_ =	shalt  }
0x52: {  	_ =	shalt  }
0x53: {  	_ =	shalt  }
0x54: {  	_ =	shalt  }
0x55: {  	_ =	shalt  }
0x56: {  	_ =	shalt  }
0x57: {  	_ =	shalt  }
0x58: {  	_ =	shalt  }
0x59: {  	_ =	shalt  }
0x5a: {  	_ =	shalt  }
0x5b: {  	_ =	shalt  }
0x5c: {  	_ =	shalt  }
0x5d: {  	_ =	shalt  }
0x5e: {  	_ =	shalt  }
0x5f: {  	_ =	shalt  }
0x60: {  	_ =	shalt  }
0x61: {  	_ =	shalt  }
0x62: {  	_ =	shalt  }
0x63: {  	_ =	shalt  }
0x64: {  	_ =	shalt  }
0x65: {  	_ =	shalt  }
0x66: {  	_ =	shalt  }
0x67: {  	_ =	shalt  }
0x68: {  	_ =	shalt  }
0x69: {  	_ =	shalt  }
0x6a: {  	_ =	shalt  }
0x6b: {  	_ =	shalt  }
0x6c: {  	_ =	shalt  }
0x6d: {  	_ =	shalt  }
0x6e: {  	_ =	shalt  }
0x6f: {  	_ =	shalt  }
0x70: {  	_ =	shalt  }
0x71: {  	_ =	shalt  }
0x72: {  	_ =	shalt  }
0x73: {  	_ =	shalt  }
0x74: {  	_ =	shalt  }
0x75: {  	_ =	shalt  }
0x76: {  	_ =	shalt  }
0x77: {  	_ =	shalt  }
0x78: {  	_ =	shalt  }
0x79: {  	_ =	shalt  }
0x7a: {  	_ =	shalt  }
0x7b: {  	_ =	shalt  }
0x7c: {  	_ =	shalt  }
0x7d: {  	_ =	shalt  }
0x7e: {  	_ =	shalt  }
0x7f: {  	_ =	shalt  }
0x80: {  	_ =	shalt  }
0x81: {  	_ =	shalt  }
0x82: {  	_ =	shalt  }
0x83: {  	_ =	shalt  }
0x84: {  	_ =	shalt  }
0x85: {  	_ =	shalt  }
0x86: {  	_ =	shalt  }
0x87: {  	_ =	shalt  }
.Lfunc_end0:
.L_simem_size_0:
called_computation_lowered:
.L_overlay_start_0:
0x88: {  	s2 =	sld [smem:$0x3FD9]  }
0x89: {  	s3 =	sld [smem:$0x3FFE];
	_ =	sdelay $0x1  }
0x8a: {  	s1 =	srdreg.scid  }
0x8b: {  	s0 =	sand.u32 $0x1, s1  }
0x8c: {  	s14 =	sshll.u32 s0, $0xA;
	s2 =	sadd.s32 s3, s2  }
0x8d: {  	s2 =	sadd.s32 s2, s14  }
0x8e: {  	[smem:$0x3FA6] =	sst s2  }
0x8f: {  	_ = 	snop  }
0x90: {  	s2 =	sld [smem:$0x3FD0];
	_ =	sdelay $0x2  }
0x91: {  	s15 =	simm.s32 $0xA;
	s4 =	simm.s32 $0x10  }
0x92: {  	[smem:s4], [sflag:s15] =	dma.local [hbm:s2], $0x1  }
0x93: {  	_ =	swait.eq [sflag:s15], $0x1  }
0x94: {  	[sflag:s15] =	ssyncset.done $0x0  }
0x95: {  	s16 =	sld [smem:$0x10];
	[sflag:s15] =	ssyncadd.s32 $0xFFFFFFFF  }
0x96: {  	s17 =	sld [smem:$0x11];
	(tm) =	ssettm $0x1  }
0x97: {  	s18 =	sld [smem:$0x3FFB];
	_ =	sdelay $0x3  }
0x98: {  	_ =	strace s18  }
0x99: {  	s4 =	sld [smem:$0x3FFC];
	_ =	sdelay $0x3  }
0x9a: {  	_ =	strace s4  }
0x9b: {  	s4 =	sld [smem:$0x3FFD];
	_ =	sdelay $0x3  }
0x9c: {  	_ =	strace s4  }
0x9d: {  	_ =	strace $0x8FFFFFFF  }
0x9e: {  	s19 =	sld [smem:$0x3FDB];
	_ =	sdelay $0x1  }
0x9f: {  	s5 =	simm.s32 $_scs_section_size  }
0xa0: {  	s6 =	simm.s32 $_size__tile_overlayer_lowered;
	s7 =	simm.s32 $_tile_overlayer_lowered  }
0xa1: {  	s22 =	simm.s32 $0x1BFF;
	s21 =	sshll.u32 s7, $0x1;
	s4 =	sadd.s32 s5, s19  }
0xa2: {  	s8 =	simm.s32 $0x0;
	s20 =	sshll.u32 s6, $0x1;
	s6 =	sadd.s32 s21, s4  }
0xa3: {  	[timem:s8], [sflag:s22] =	dma.local [hbm:s6], s20  }
0xa4: {  	_ =	swait.ge [sflag:s22], s20  }
0xa5: {  	s5 =	ssub.s32 $0x0, s20;
	[sflag:s22] =	ssyncset.done $0x0  }
0xa6: {  	[sflag:s22] =	ssyncadd.s32 s5;
	_ =	sdelay $0x1  }
0xa7: {  	s23 =	simm.s32 $0x1B8B  }
0xa8: {  	_ =	swait.ge [sflag:s23], $0x1  }
0xa9: {  	[sflag:s23] =	ssyncset.done $0x0  }
0xaa: {  	s25 =	simm.s32 $0x1B8E;
	s24 =	sld [smem:$0x3FFE];
	[sflag:s23] =	ssyncadd.s32 $0xFFFFFFFF  }
0xab: {  	s26 =	simm.s32 $execute0_lowered;
	[smem:$0x3FD2] =	sst s25  }
0xac: {  	s6 =	sshll.u32 s26, $0x1;
	_ =	strace $0x80000046;
	[dreg:$0x1] =	wrdreg $0xFFFFFFFF  }
0xad: {  	s28 =	simm.s32 $_size_execute0_lowered;
	s4 =	sadd.s32 s4, s6;
	[dreg:$0x0] =	wrdreg $0x0  }
0xae: {  	s6 =	sshll.u32 s28, $0x1;
	[dreg:$0x2] =	wrdreg s4  }
0xaf: {  	[dreg:$0x3] =	wrdreg s6  }
0xb0: {  	[dreg:$0x4] =	wrdreg $0xC0  }
0xb1: {  	_ =	task [dreg:s8], $0x5FFFF  }
0xb2: {  	[dreg:$0x1] =	wrdreg $0xFFFFFFFF  }
0xb3: {  	[dreg:$0x0] =	wrdreg $0x60  }
0xb4: {  	[dreg:$0x2] =	wrdreg s24  }
0xb5: {  	[dreg:$0x3] =	wrdreg s17  }
0xb6: {  	[dreg:$0x4] =	wrdreg s16  }
0xb7: {  	[dreg:$0x5] =	wrdreg $0x41000  }
0xb8: {  	[dreg:$0x6] =	wrdreg $0x45000  }
0xb9: {  	[dreg:$0x7] =	wrdreg $0x9  }
0xba: {  	_ =	task.clear_ibuf [dreg:s8], $0x8FFFF;
	_ =	strace $0x90000046  }
0xbb: {  	s29 =	simm.s32 $0x9;
	_ =	strace $0x80000048  }
0xbc: {  	_ =	swait.ge [sflag:s29], $0x1  }
0xbd: {  	[sflag:s29] =	ssyncadd.s32 $0xFFFFFFFF  }
0xbe: {  	_ =	strace $0x90000048  }
0xbf: {  	_ =	sfence  }
0xc0: {  	s30 =	sld [smem:$0x0];
	_ =	sdelay $0x2  }
0xc1: {  	s31 =	sshll.u32 s1, $0xD;
	s1 =	sshrl.u32 s1, $0x2  }
0xc2: {  	s3 =	sand.u32 $0x4000, s31;
	s1 =	sadd.s32 s1, s30  }
0xc3: {  	s0 =	sor.u32 s3, s0;
	s1 =	sshll.u32 s1, $0x11  }
0xc4: {  	s0 =	sor.u32 s1, s0  }
0xc5: {  	s0 =	sadd.s32 $0x8F2B, s0  }
0xc6: {  	[sflag:s0] =	ssyncadd.remote.s32 $0x1  }
0xc7: {  	_ =	sfence.sel $0xFFFF  }
0xc8: {  	[dreg:$0x0] =	wrdreg $0xFFFFFFFF;
	(pc) =	sbr.abs _section_cstart, $3  }
0xc9: {  	[dreg:$0x1] =	wrdreg $0xFFFFFFFF  }
0xca: {  	_ =	task.clear_ibuf [dreg:s8], $0x2FFFF;
	_ =	strace $0x9FFFFFFF  }
0xcb: {  	(tm) =	ssettm $0x7FFFFFFF  }
tec
execute0_lowered:
.L_overlay_start_1:
0x0: {  	(tag) =	ssettag $0x1  }
0x1: {  	s5 =	rddreg [dreg:$0x0]  }
0x2: {  	s10 =	rddreg [dreg:$0x1]  }
0x3: {  	s11 =	rddreg [dreg:$0x2]  }
0x4: {  	s1 =	rddreg [dreg:$0x3]  }
0x5: {  	s2 =	rddreg [dreg:$0x4];
	s3 =	srdreg.scid  }
0x6: {  	s0 =	rddreg [dreg:$0x5];
	s12 =	stileid.u32  }
0x7: {  	s15 =	simm.s32 $0x1;
	s16 =	simm.s32 $0x80;
	s17 =	simm.s32 $0x100  }
0x8: {  	s13 =	sand.u32 $0x1, s3;
	s3 =	simm.s32 $0x0;
	s4 =	sshll.u32 s12, $0x5  }
0x9: {  	p0 =	sne.s32 s12, $0x0;
	s6 =	sshll.u32 s13, $0x4;
	[smem:$0x7FF] =	sst s3  }
0xa: {  	s31 =	ssub.s32 $0x2, s13;
	s13 =	sshll.u32 s13, $0xB;
	s4 =	sor.u32 s6, s4  }
0xb: {  	_ =	strace $0x80000047;
	s7 =	sshrl.u32 s31, $0x1;
	s10 =	sadd.s32 s10, s13  }
0xc: {  	s11 =	sadd.s32 s11, s13;
	s13 =	sshrl.u32 @!p0 s1, $0x3;
	s9 =	sadd.s32 s4, s5  }
0xd: {  	s4 =	sadd.s32 $0x7200, s5;
	s5 =	sadd.s32 $0x7A00, s5;
	s14 =	ssub.s32 s31, s7  }
0xe: {  	s6 =	sadd.s32 $0x6C00, s9;
	s7 =	sadd.s32 $0x6A00, s9;
	s8 =	sadd.s32 $0x7000, s9  }
0xf: {  	s9 =	sadd.s32 $0x6E00, s9;
	s12 =	smax.u32 s14, $0x1;
	s14 =	sshrl.u32 @!p0 s2, $0x3  }
.LBB2_1:
0x10: {  	s19 =	simm.s32 @!p0 $0x1C01;
	s18 =	simm.s32 @!p0 $0x1  }
0x11: {  	[spmem:s13], [sflag:s19] =	dma.local @!p0 [hbm:s5], $0x800  }
0x12: {  	_ =	swait.ge @!p0 [sflag:s18], $0x800  }
0x13: {  	[sflag:s18] =	ssyncset.done @!p0 $0x0  }
0x14: {  	[sflag:s18] =	ssyncadd.s32 @!p0 $0xFFFFF800  }
0x15: {  	[spmem:s14], [sflag:s19] =	dma.local @!p0 [hbm:s5], $0x800  }
0x16: {  	_ =	swait.ge @!p0 [sflag:s18], $0x800  }
0x17: {  	[sflag:s18] =	ssyncset.done @!p0 $0x0  }
0x18: {  	[sflag:s18] =	ssyncadd.s32 @!p0 $0xFFFFF800  }
0x19: {  	[bflag:$0x0] =	sbarrier.arrive $0xFFFF  }
0x1a: {  	[tilespmem:s3], [sflag:$0x1] =	stream.linear.gather [hbm4b:s6+s3], $0x80, $0x38;
	[tilespmem:$0x4900] =	vst v63  }
0x1b: {  	_ =	swait.ge [sflag:s15], $0x80  }
0x1c: {  	[sflag:s15] =	ssyncset.done $0x0  }
0x1d: {  	[sflag:s15] =	ssyncadd.s32 $0xFFFFFF80  }
0x1e: {  	[tilespmem:s16], [sflag:$0x1] =	stream.linear.gather [hbm4b:s7+s3], $0x80, $0x38;
	[tilespmem:$0x4900] =	vst v63  }
0x1f: {  	_ =	swait.ge [sflag:s15], $0x80  }
0x20: {  	[sflag:s15] =	ssyncset.done $0x0  }
0x21: {  	[sflag:s15] =	ssyncadd.s32 $0xFFFFFF80  }
0x22: {  	v0 =	vld [tilespmem:$0x0]  }
0x23: {  	v1 =	vld [tilespmem:$0x80]  }
0x24: {  	v2 =	vld [tilespmem:$0x10]  }
0x25: {  	v3 =	vld [tilespmem:$0x90]  }
0x26: {  	v4 =	vld [tilespmem:$0x20]  }
0x27: {  	v5 =	vld [tilespmem:$0xA0]  }
0x28: {  	v6 =	vld [tilespmem:$0x30];
	vm0 =	vlt.u32 v0, $0x80;
	vm1 =	vlt.u32 v1, $0x40  }
0x29: {  	v7 =	vld [tilespmem:$0xB0];
	vm0 =	vmand vm0, vm1  }
0x2a: {  	v8 =	vld [tilespmem:$0x40];
	vm9 =	vlt.u32 v2, $0x80;
	vm2 =	vlt.u32 v3, $0x40;
	v0 =	vnsel vm0, $0x7F, v0  }
0x2b: {  	v12 =	vld [tilespmem:$0xC0];
	vm10 =	vmand vm9, vm2;
	v11 =	vnsel vm0, $0x0, v1;
	[tilespmem:$0x0] =	vst v0  }
0x2c: {  	v14 =	vld [tilespmem:$0x50];
	vm11 =	vlt.u32 v4, $0x80;
	vm12 =	vlt.u32 v5, $0x40;
	v13 =	vnsel vm10, $0x7F, v2;
	[tilespmem:$0x80] =	vst v11  }
0x2d: {  	v16 =	vld [tilespmem:$0xD0];
	vm13 =	vmand vm11, vm12;
	v15 =	vnsel vm10, $0x0, v3;
	[tilespmem:$0x10] =	vst v13  }
0x2e: {  	v18 =	vld [tilespmem:$0x60];
	vm14 =	vlt.u32 v6, $0x80;
	vm15 =	vlt.u32 v7, $0x40;
	v17 =	vnsel vm13, $0x7F, v4;
	[tilespmem:$0x90] =	vst v15  }
0x2f: {  	v20 =	vld [tilespmem:$0xE0];
	vm4 =	vmand vm14, vm15;
	v19 =	vnsel vm13, $0x0, v5;
	[tilespmem:$0x20] =	vst v17  }
0x30: {  	v22 =	vld [tilespmem:$0x70];
	vm5 =	vlt.u32 v8, $0x80;
	vm6 =	vlt.u32 v12, $0x40;
	v21 =	vnsel vm4, $0x7F, v6;
	[tilespmem:$0xA0] =	vst v19  }
0x31: {  	v24 =	vld [tilespmem:$0xF0];
	vm7 =	vmand vm5, vm6;
	v23 =	vnsel vm4, $0x0, v7;
	[tilespmem:$0x30] =	vst v21  }
0x32: {  	vm8 =	vlt.u32 v14, $0x80;
	vm9 =	vlt.u32 v16, $0x40;
	v25 =	vnsel vm7, $0x7F, v8;
	[tilespmem:$0xB0] =	vst v23  }
0x33: {  	v26 =	vnsel vm7, $0x0, v12;
	vm10 =	vmand vm8, vm9;
	[tilespmem:$0x40] =	vst v25  }
0x34: {  	vm11 =	vlt.u32 v18, $0x80;
	vm12 =	vlt.u32 v20, $0x40;
	[tilespmem:$0xC0] =	vst v26;
	v27 =	vnsel vm10, $0x7F, v14  }
0x35: {  	vm13 =	vmand vm11, vm12;
	v28 =	vnsel vm10, $0x0, v16;
	[tilespmem:$0x50] =	vst v27  }
0x36: {  	vm14 =	vlt.u32 v22, $0x80;
	vm15 =	vlt.u32 v24, $0x40;
	v29 =	vnsel vm13, $0x7F, v18;
	[tilespmem:$0xD0] =	vst v28  }
0x37: {  	vm4 =	vmand vm14, vm15;
	v30 =	vnsel vm13, $0x0, v20;
	[tilespmem:$0x60] =	vst v29  }
0x38: {  	v31 =	vnsel vm4, $0x7F, v22;
	[tilespmem:$0xE0] =	vst v30  }
0x39: {  	v32 =	vnsel vm4, $0x0, v24;
	[tilespmem:$0x70] =	vst v31  }
0x3a: {  	[tilespmem:$0xF0] =	vst v32  }
0x3b: {  	[tilespmem:s17], [sflag:$0x1] =	stream.indirect.gather [hbm4b:s4+s16], $0x80, s16, s16, $0xb8;
	[tilespmem:$0x4900] =	vst v63  }
0x3c: {  	_ =	swait.ge [sflag:s15], $0x4000  }
0x3d: {  	[sflag:s15] =	ssyncset.done $0x0  }
0x3e: {  	[sflag:s15] =	ssyncadd.s32 $0xFFFFC000  }
0x3f: {  	[spmem:s1] =	stream.indirect.scatter.add.f32 [tilespmem:s17], [sflag:$0x1], $0x80, s3, s16, $0xb8;
	[tilespmem:$0x4900] =	vst v63  }
0x40: {  	_ =	swait.ge [sflag:s15], $0x4000  }
0x41: {  	[sflag:s15] =	ssyncset.done $0x0  }
0x42: {  	[sflag:s15] =	ssyncadd.s32 $0xFFFFC000  }
0x43: {  	[tilespmem:s3], [sflag:$0x1] =	stream.linear.gather [hbm4b:s8+s3], $0x80, $0x38;
	[tilespmem:$0x4900] =	vst v63  }
0x44: {  	_ =	swait.ge [sflag:s15], $0x80  }
0x45: {  	[sflag:s15] =	ssyncset.done $0x0  }
0x46: {  	[sflag:s15] =	ssyncadd.s32 $0xFFFFFF80  }
0x47: {  	[tilespmem:s16], [sflag:$0x1] =	stream.linear.gather [hbm4b:s9+s3], $0x80, $0x38;
	[tilespmem:$0x4900] =	vst v63  }
0x48: {  	_ =	swait.ge [sflag:s15], $0x80  }
0x49: {  	[sflag:s15] =	ssyncset.done $0x0  }
0x4a: {  	[sflag:s15] =	ssyncadd.s32 $0xFFFFFF80  }
0x4b: {  	v33 =	vld [tilespmem:$0x0]  }
0x4c: {  	v34 =	vld [tilespmem:$0x80]  }
0x4d: {  	v35 =	vld [tilespmem:$0x10]  }
0x4e: {  	v36 =	vld [tilespmem:$0x90]  }
0x4f: {  	v37 =	vld [tilespmem:$0x20]  }
0x50: {  	v38 =	vld [tilespmem:$0xA0]  }
0x51: {  	v39 =	vld [tilespmem:$0x30];
	vm5 =	vlt.u32 v33, $0x80;
	vm6 =	vlt.u32 v34, $0x40  }
0x52: {  	v40 =	vld [tilespmem:$0xB0];
	vm0 =	vmand vm5, vm6  }
0x53: {  	v41 =	vld [tilespmem:$0x40];
	vm7 =	vlt.u32 v35, $0x80;
	vm8 =	vlt.u32 v36, $0x40;
	v0 =	vnsel vm0, $0x7F, v33  }
0x54: {  	v43 =	vld [tilespmem:$0xC0];
	vm9 =	vmand vm7, vm8;
	v42 =	vnsel vm0, $0x0, v34;
	[tilespmem:$0x0] =	vst v0  }
0x55: {  	v45 =	vld [tilespmem:$0x50];
	vm10 =	vlt.u32 v37, $0x80;
	vm11 =	vlt.u32 v38, $0x40;
	v44 =	vnsel vm9, $0x7F, v35;
	[tilespmem:$0x80] =	vst v42  }
0x56: {  	v47 =	vld [tilespmem:$0xD0];
	vm12 =	vmand vm10, vm11;
	v46 =	vnsel vm9, $0x0, v36;
	[tilespmem:$0x10] =	vst v44  }
0x57: {  	v49 =	vld [tilespmem:$0x60];
	vm13 =	vlt.u32 v39, $0x80;
	vm14 =	vlt.u32 v40, $0x40;
	v48 =	vnsel vm12, $0x7F, v37;
	[tilespmem:$0x90] =	vst v46  }
0x58: {  	v51 =	vld [tilespmem:$0xE0];
	vm15 =	vmand vm13, vm14;
	v50 =	vnsel vm12, $0x0, v38;
	[tilespmem:$0x20] =	vst v48  }
0x59: {  	v53 =	vld [tilespmem:$0x70];
	vm4 =	vlt.u32 v41, $0x80;
	vm5 =	vlt.u32 v43, $0x40;
	v52 =	vnsel vm15, $0x7F, v39;
	[tilespmem:$0xA0] =	vst v50  }
0x5a: {  	v55 =	vld [tilespmem:$0xF0];
	v54 =	vnsel vm15, $0x0, v40;
	vm6 =	vmand vm4, vm5;
	[tilespmem:$0x30] =	vst v52  }
0x5b: {  	vm7 =	vlt.u32 v45, $0x80;
	vm8 =	vlt.u32 v47, $0x40;
	[tilespmem:$0xB0] =	vst v54;
	v56 =	vnsel vm6, $0x7F, v41  }
0x5c: {  	vm9 =	vmand vm7, vm8;
	v57 =	vnsel vm6, $0x0, v43;
	[tilespmem:$0x40] =	vst v56  }
0x5d: {  	vm10 =	vlt.u32 v49, $0x80;
	vm11 =	vlt.u32 v51, $0x40;
	v58 =	vnsel vm9, $0x7F, v45;
	[tilespmem:$0xC0] =	vst v57  }
0x5e: {  	vm12 =	vmand vm10, vm11;
	v59 =	vnsel vm9, $0x0, v47;
	[tilespmem:$0x50] =	vst v58  }
0x5f: {  	vm13 =	vlt.u32 v53, $0x80;
	vm14 =	vlt.u32 v55, $0x40;
	v60 =	vnsel vm12, $0x7F, v49;
	[tilespmem:$0xD0] =	vst v59  }
0x60: {  	vm15 =	vmand vm13, vm14;
	v61 =	vnsel vm12, $0x0, v51;
	[tilespmem:$0x60] =	vst v60  }
0x61: {  	v62 =	vnsel vm15, $0x7F, v53;
	[tilespmem:$0xE0] =	vst v61  }
0x62: {  	v63 =	vnsel vm15, $0x0, v55;
	[tilespmem:$0x70] =	vst v62  }
0x63: {  	[tilespmem:$0xF0] =	vst v63  }
0x64: {  	[tilespmem:s17], [sflag:$0x1] =	stream.indirect.gather [hbm4b:s4+s16], $0x80, s16, s16, $0xb8;
	[tilespmem:$0x4900] =	vst v63  }
0x65: {  	_ =	swait.ge [sflag:s15], $0x4000  }
0x66: {  	[sflag:s15] =	ssyncset.done $0x0  }
0x67: {  	[sflag:s15] =	ssyncadd.s32 $0xFFFFC000  }
0x68: {  	[spmem:s2] =	stream.indirect.scatter.add.f32 [tilespmem:s17], [sflag:$0x1], $0x80, s3, s16, $0xb8;
	[tilespmem:$0x4900] =	vst v63  }
0x69: {  	_ =	swait.ge [sflag:s15], $0x4000  }
0x6a: {  	[sflag:s15] =	ssyncset.done $0x0  }
0x6b: {  	[sflag:s15] =	ssyncadd.s32 $0xFFFFC000  }
0x6c: {  	[bflag:$0x0] =	sbarrier.arrive $0xFFFF  }
0x6d: {  	[hbm:s10], [sflag:s19] =	dma.local @!p0 [spmem:s13], $0x800  }
0x6e: {  	s12 =	sadd.s32 $0xFFFFFFFF, s12;
	_ =	swait.ge @!p0 [sflag:s18], $0x800  }
0x6f: {  	p1 =	sne.s32 s12, $0x0;
	[sflag:s18] =	ssyncset.done @!p0 $0x0  }
.Ltmp0:
0x70: {  	[sflag:s18] =	ssyncadd.s32 @!p0 $0xFFFFF800;
	(pc) =	sbr.rel @p1 .LBB2_1-.Ltmp0, $4  }
0x71: {  	[hbm:s11], [sflag:s19] =	dma.local @!p0 [spmem:s14], $0x800  }
0x72: {  	_ =	swait.ge @!p0 [sflag:s18], $0x800  }
0x73: {  	[sflag:s18] =	ssyncset.done @!p0 $0x0  }
0x74: {  	[sflag:s18] =	ssyncadd.s32 @!p0 $0xFFFFF800  }
0x75: {  	_ =	sfence.sel $0x180000  }
0x76: {  	[bflag:$0x0] =	sbarrier.arrive $0xFFFF  }
0x77: {  	_ =	strace $0x90000047  }
0x78: {  	s0 =	sadd.s32 @!p0 $0x100000, s0;
	[bflag:$0x2] =	sbarrier.arrive $0xFFFF  }
0x79: {  	[sflag:s0] =	ssyncadd.tile.s32 @!p0 $0x1;
	_ =	shalt  }
.Lfunc_end2:
_tile_overlayer_lowered:
.L_overlay_start_2:
0x7a: {  	(tag) =	ssettag $0x2  }
0x7b: {  	s0 =	rddreg [dreg:$0x0];
	s2 =	stileid.u32  }
0x7c: {  	s1 =	rddreg [dreg:$0x1];
	p0 =	sne.s32 s2, $0x0  }
0x7d: {  	s3 =	rddreg [dreg:$0x2];
	[bflag:$0x3] =	sbarrier.arrive $0xFFFF;
	s2 =	simm.s32 @!p0 $0x1C01  }
0x7e: {  	[timem:s3], [sflag:s2] =	dma.local @!p0 [hbm:s0], s1  }
0x7f: {  	s0 =	simm.s32 @!p0 $0x1  }
0x80: {  	_ =	swait.ge @!p0 [sflag:s0], s1  }
0x81: {  	s1 =	ssub.s32 @!p0 $0x0, s1;
	[sflag:s0] =	ssyncset.done @!p0 $0x0  }
0x82: {  	[sflag:s0] =	ssyncadd.s32 @!p0 s1  }
0x83: {  	[bflag:$0x3] =	sbarrier.arrive $0xFFFF  }
0x84: {  	_ =	shalt  }

</sc_bundles>
